<compile_context>
chip_gen: v7x
topology: tpu7x:2x2x1
jax: 0.10.2.dev20260603
libtpu: 0.0.44.dev20260713+nightly
codegen_flags: <defaults>
</compile_context>

<pallas_src>
import functools

import jax
import jax.numpy as jnp
from jax import lax
from jax.experimental import pallas as pl
from jax.experimental.pallas import tpu as pltpu
from jax.experimental.pallas import tpu_sc as plsc

N_NODES = 50000
N_EDGES = 800000
DIM_A = 16
DIM_V = 8
DIM_D = 4
RANK = 8
R0 = 5.0
NRAD = 8
FW = 80

TP_ORDER = ('tp_000', 'tp_011', 'tp_110', 'tp_101', 'tp_112',
            'tp_220', 'tp_211', 'tp_202', 'tp_222')

_POFF = {'tp_000': 0, 'tp_011': 8, 'tp_110': 16, 'tp_101': 40, 'tp_112': 64,
         'tp_220': 88, 'tp_211': 160, 'tp_202': 232, 'tp_222': 304}
PW = 384


def _kron_eye(w, k):
    return jnp.kron(jnp.eye(k, dtype=w.dtype), w)


def _build_tc_params(params):
    wp = jnp.zeros((FW, PW), jnp.float32)
    wp = wp.at[0:16, 0:8].set(params['tp_000']['Wl'])
    wp = wp.at[0:16, 8:16].set(params['tp_011']['Wl'])
    wp = wp.at[16:40, 16:40].set(_kron_eye(params['tp_110']['Wl'], 3))
    wp = wp.at[16:40, 40:64].set(_kron_eye(params['tp_101']['Wl'], 3))
    wp = wp.at[16:40, 64:88].set(_kron_eye(params['tp_112']['Wl'], 3))
    wp = wp.at[40:76, 88:160].set(_kron_eye(params['tp_220']['Wl'], 9))
    wp = wp.at[40:76, 160:232].set(_kron_eye(params['tp_211']['Wl'], 9))
    wp = wp.at[40:76, 232:304].set(_kron_eye(params['tp_202']['Wl'], 9))
    wp = wp.at[40:76, 304:376].set(_kron_eye(params['tp_222']['Wl'], 9))
    wr = jnp.concatenate([params[t]['Wr'] for t in TP_ORDER], axis=1)
    woA = jnp.concatenate([params['tp_000']['Wo'], params['tp_110']['Wo'],
                           params['tp_220']['Wo']], axis=0)
    return dict(
        wpT=wp.T,
        wrT=wr.T,
        woA=woA.T,
        wo011=params['tp_011']['Wo'].T,
        wo101=params['tp_101']['Wo'].T,
        wo211=params['tp_211']['Wo'].T,
        wo112=params['tp_112']['Wo'].T,
        wo202=params['tp_202']['Wo'].T,
        wo222=params['tp_222']['Wo'].T,
    )


def _tc_body(g_ref, r_ref, wpT, wrT, woA, wo011, wo101, wo211, wo112,
             wo202, wo222, o_ref):
    f32 = jnp.float32
    dn_t = (((1,), (1,)), ((), ()))
    dn_m = (((1,), (0,)), ((), ()))
    dot = functools.partial(jax.lax.dot_general,
                            preferred_element_type=f32,
                            precision=jax.lax.Precision.DEFAULT)
    G = g_ref[...]
    Bsz = G.shape[0]
    r3 = r_ref[...][0:3, :]
    rsq = jnp.sum(r3 * r3, axis=0, keepdims=True) / R0
    srt = jnp.sqrt(rsq)
    npi = jnp.pi * jax.lax.broadcasted_iota(
        jnp.int32, (NRAD, 1), 0).astype(f32)
    env = jnp.maximum(1.0 - rsq, 0.0)
    rad = jnp.cos(npi * srt) * env
    y = r3 * (17.0 / R0)
    nrm = jnp.sqrt(jnp.sum(y * y, axis=0, keepdims=True) + 1e-12)
    rs = y * (jnp.tanh(nrm) / nrm)
    rs_l = [rs[i:i + 1, :] for i in range(3)]

    Gall = dot(wrT[...], rad, dn_m)
    P = dot(wpT[...], G, dn_t)
    g = {t: Gall[k * 8:(k + 1) * 8, :] for k, t in enumerate(TP_ORDER)}

    def pblk(t, k, n=8):
        o = _POFF[t] + k * n
        return P[o:o + n, :]

    h000 = pblk('tp_000', 0) * g['tp_000']
    d110 = sum(pblk('tp_110', i) * rs_l[i] for i in range(3))
    h110 = g['tp_110'] * d110
    d220 = sum(pblk('tp_220', i * 3 + j) * (rs_l[i] * rs_l[j])
               for i in range(3) for j in range(3))
    h220 = g['tp_220'] * d220
    psiA = dot(woA[...], jnp.concatenate([h000, h110, h220], axis=0), dn_m)

    t011 = dot(wo011[...], pblk('tp_011', 0) * g['tp_011'], dn_m)
    psiV_parts = []
    for i in range(3):
        v1 = dot(wo101[...], pblk('tp_101', i) * g['tp_101'], dn_m)
        w = sum(pblk('tp_211', i * 3 + j) * rs_l[j] for j in range(3))
        v2 = dot(wo211[...], g['tp_211'] * w, dn_m)
        psiV_parts.append(t011 * rs_l[i] + v1 + v2)
    psiV = jnp.concatenate(psiV_parts, axis=0)

    D = []
    for i in range(3):
        d1 = dot(wo112[...], pblk('tp_112', i) * g['tp_112'], dn_m)
        w2 = sum(pblk('tp_222', i * 3 + j) * rs_l[j] for j in range(3))
        d2 = dot(wo222[...], g['tp_222'] * w2, dn_m)
        D.append(d1 + d2)
    psiD_parts = []
    for i in range(3):
        for j in range(3):
            e202 = dot(wo202[...], pblk('tp_202', i * 3 + j) * g['tp_202'], dn_m)
            psiD_parts.append(e202 + D[i] * rs_l[j])
    psiD = jnp.concatenate(psiD_parts, axis=0)

    psi = jnp.concatenate(
        [psiA, psiV, psiD, jnp.zeros((4, Bsz), f32)], axis=0)
    o_ref[...] = dot(psi, jnp.eye(FW, dtype=f32),
                     (((0,), (0,)), ((), ())))


def _tc_compute(G, Rpad, tcp, block_e):
    E = G.shape[0]
    grid = (E // block_e,)
    full = lambda a: pl.BlockSpec(a.shape, lambda i: (0,) * a.ndim)
    porder = ('wpT', 'wrT', 'woA', 'wo011', 'wo101', 'wo211', 'wo112',
              'wo202', 'wo222')
    return pl.pallas_call(
        _tc_body,
        grid=grid,
        in_specs=[
            pl.BlockSpec((block_e, FW), lambda i: (i, 0)),
            pl.BlockSpec((8, block_e), lambda i: (0, i)),
        ] + [full(tcp[k]) for k in porder],
        out_specs=pl.BlockSpec((block_e, FW), lambda i: (i, 0)),
        out_shape=jax.ShapeDtypeStruct((E, FW), jnp.float32),
    )(G, Rpad, *[tcp[k] for k in porder])


def _sc_gather(table, idx):
    info = plsc.get_sparse_core_info()
    nw = info.num_cores * info.num_subcores
    E = idx.shape[0]
    per_w = E // nw
    C = 1000
    mesh = plsc.VectorSubcoreMesh(core_axis_name="c", subcore_axis_name="s")

    @functools.partial(
        pl.kernel, mesh=mesh,
        compiler_params=pltpu.CompilerParams(use_tc_tiling_on_sc=False),
        out_type=jax.ShapeDtypeStruct((E, FW), jnp.float32),
        scratch_types=[
            pltpu.VMEM((C,), jnp.int32),
            pltpu.VMEM((C, FW), jnp.float32),
            pltpu.SemaphoreType.DMA,
        ],
    )
    def k(table_hbm, idx_hbm, out_hbm, idx_v, rows_v, sem):
        wid = lax.axis_index("s") * info.num_cores + lax.axis_index("c")
        base = wid * per_w

        def body(j, carry):
            o = base + j * C
            pltpu.sync_copy(idx_hbm.at[pl.ds(o, C)], idx_v)
            pltpu.async_copy(table_hbm.at[idx_v], rows_v, sem).wait()
            pltpu.sync_copy(rows_v, out_hbm.at[pl.ds(o, C)])
            return carry

        lax.fori_loop(0, per_w // C, body, 0)

    return k(table, idx)


def _sc_scatter_add(psi, src, n):
    info = plsc.get_sparse_core_info()
    ns = info.num_subcores
    E = psi.shape[0]
    per_w = E // ns
    C = 128
    NCH = E // C
    CZ = 1000
    NZ = n // CZ
    half = FW // 2
    mesh = plsc.VectorSubcoreMesh(core_axis_name="c", subcore_axis_name="s")

    @functools.partial(
        pl.kernel, mesh=mesh,
        compiler_params=pltpu.CompilerParams(use_tc_tiling_on_sc=False),
        out_type=jax.ShapeDtypeStruct((n, FW), jnp.float32),
        scratch_types=[
            pltpu.VMEM((C,), jnp.int32),
            pltpu.VMEM((C, half), jnp.float32),
            pltpu.VMEM_SHARED((n, half), jnp.float32),
        ],
    )
    def k(psi_hbm, idx_hbm, zero_hbm, out_hbm, idx_v, buf, acc):
        c = lax.axis_index("c")
        s = lax.axis_index("s")
        nz_own = (NZ + ns - 1) // ns

        def run(acc):
            def zbody(z, carry):
                zi = z * ns + s

                @pl.when(zi < NZ)
                def _():
                    pltpu.sync_copy(zero_hbm, acc.at[pl.ds(zi * CZ, CZ), :])
                return carry
            lax.fori_loop(0, nz_own, zbody, 0)
            plsc.subcore_barrier()

            def body(j, carry):
                k = j * ns + s

                @pl.when(k < NCH)
                def _():
                    o = k * C
                    pltpu.sync_copy(idx_hbm.at[pl.ds(o, C)], idx_v)
                    pltpu.sync_copy(
                        psi_hbm.at[pl.ds(o, C), pl.ds(c * half, half)], buf)
                    pltpu.sync_copy(buf, acc.at[idx_v], add=True)
                return carry
            lax.fori_loop(0, (NCH + ns - 1) // ns, body, 0)
            plsc.subcore_barrier()

            def wbody(z, carry):
                zi = z * ns + s

                @pl.when(zi < NZ)
                def _():
                    pltpu.sync_copy(
                        acc.at[pl.ds(zi * CZ, CZ), :],
                        out_hbm.at[pl.ds(zi * CZ, CZ), pl.ds(c * half, half)])
                return carry
            lax.fori_loop(0, nz_own, wbody, 0)

        run(acc)

    zero = jnp.zeros((CZ, half), jnp.float32)
    return k(psi, src, zero)


def _build_table(x_a, x_v, x_d):
    n = x_a.shape[0]
    xv = jnp.transpose(x_v, (0, 2, 1)).reshape(n, 24)
    xd = jnp.transpose(x_d, (0, 2, 3, 1)).reshape(n, 36)
    return jnp.concatenate(
        [x_a, xv, xd, jnp.zeros((n, 4), jnp.float32)], axis=1)


def _unpack_out(out):
    n = out.shape[0]
    B_a = out[:, 0:16]
    B_v = jnp.transpose(out[:, 16:40].reshape(n, 3, 8), (0, 2, 1))
    B_d = jnp.transpose(out[:, 40:76].reshape(n, 3, 3, 4), (0, 3, 1, 2))
    return B_a, B_v, B_d


def kernel(graph, r_ij, x_a, x_v, x_d, params):
    E = r_ij.shape[0]
    n = x_a.shape[0]
    src = graph[0]
    dst = graph[1]
    table = _build_table(x_a, x_v, x_d)
    Rpad = jnp.concatenate(
        [r_ij.T, jnp.zeros((5, E), jnp.float32)], axis=0)
    tcp = _build_tc_params(params)
    block_e = 3200 if E % 3200 == 0 else 16
    if E % 32000 == 0:
        G = _sc_gather(table, dst)
    else:
        G = jnp.take(table, dst, axis=0)
    psi = _tc_compute(G, Rpad, tcp, block_e)
    if E % 32000 == 0 and n % 1000 == 0:
        out = _sc_scatter_add(psi, src, n)
    else:
        out = jax.ops.segment_sum(psi, src, num_segments=n)
    return _unpack_out(out)

# --- scband reference (transcript-rebuilt; emitter-appended) ---
"""Pipeline reference for scband-messages-21251498181146 (READ-ONLY COPY).

The authoritative reference and input builder live on the scoring server;
editing this copy changes nothing except your own understanding.
"""

import jax, jax.numpy as jnp
import numpy as np

N_NODES = 50000
N_EDGES = 800000
DIM_A = 16
DIM_V = 8
DIM_D = 4
RANK = 8
R0 = 5.0
NRAD = 8

TP_SPECS = {
    'tp_000': (0, 0, 0, DIM_A, DIM_A),
    'tp_101': (1, 0, 1, DIM_V, DIM_V),
    'tp_202': (2, 0, 2, DIM_D, DIM_D),
    'tp_011': (0, 1, 1, DIM_A, DIM_V),
    'tp_110': (1, 1, 0, DIM_V, DIM_A),
    'tp_112': (1, 1, 2, DIM_V, DIM_D),
    'tp_211': (2, 1, 1, DIM_D, DIM_V),
    'tp_220': (2, 2, 0, DIM_D, DIM_A),
    'tp_222': (2, 2, 2, DIM_D, DIM_D),
}

def _lin(x, W, l):
    if l == 0:
        return jnp.einsum('ec,cr->er', x, W)
    if l == 1:
        return jnp.einsum('eci,cr->eri', x, W)
    return jnp.einsum('ecij,cr->erij', x, W)

def _combine(l1, l2, l3, a, b):
    key = (l1, l2, l3)
    if key == (0, 0, 0):
        return a * b
    if key == (1, 0, 1):
        return a * b[..., None]
    if key == (2, 0, 2):
        return a * b[..., None, None]
    if key == (0, 1, 1):
        return a[..., None] * b
    if key == (1, 1, 0):
        return (a * b).sum(-1)
    if key == (1, 1, 2):
        return a[..., :, None] * b[..., None, :]
    if key == (2, 1, 1):
        return jnp.einsum('erij,erj->eri', a, b)
    if key == (2, 2, 0):
        return (a * b).sum((-2, -1))
    if key == (2, 2, 2):
        return jnp.einsum('erik,erkj->erij', a, b)
    raise ValueError(key)

def _tp(name, x, y, params):
    l1, l2, l3, _, _ = TP_SPECS[name]
    p = params[name]
    return _lin(_combine(l1, l2, l3, _lin(x, p['Wl'], l1), _lin(y, p['Wr'], l2)), p['Wo'], l3)

def radial_encode_edge(r, n, rmax):
    npi = jnp.pi * jnp.arange(n, dtype=r.dtype)
    x_sq = (r ** 2).sum(-1) / rmax
    return jnp.cos(npi * jnp.sqrt(x_sq)[..., None]) * jax.nn.relu(1.0 - x_sq)[..., None]

def tens_sigmoid(l, x):
    norm = jnp.sqrt((x ** 2).sum(-1, keepdims=True) + 1e-12)
    return x * jnp.tanh(norm) / norm

def make_params(key):
    params = {}
    i = 0
    for name, (l1, l2, l3, din, dout) in TP_SPECS.items():
        kl = jax.random.fold_in(key, i); i += 1
        kr = jax.random.fold_in(key, i); i += 1
        ko = jax.random.fold_in(key, i); i += 1
        params[name] = {
            'Wl': jax.random.normal(kl, (din, RANK), dtype=jnp.float32) / np.sqrt(din),
            'Wr': jax.random.normal(kr, (NRAD, RANK), dtype=jnp.float32) / np.sqrt(NRAD),
            'Wo': jax.random.normal(ko, (RANK, dout), dtype=jnp.float32) / np.sqrt(RANK),
        }
    return params

def forward_core(graph, r_ij, x_a, x_v, x_d, params):
    rad = radial_encode_edge(r_ij, NRAD, R0)
    rs = tens_sigmoid(1, r_ij * (17.0 / R0))
    phi_a = rad
    phi_v = rad[..., None] * rs[..., None, :]
    phi_d = rad[..., None, None] * rs[..., None, None, :] * rs[..., None, :, None]
    src = graph[0]
    dst = graph[1]
    x_a_j = jnp.take(x_a, dst, axis=0)
    x_v_j = jnp.take(x_v, dst, axis=0)
    x_d_j = jnp.take(x_d, dst, axis=0)
    psi_a = _tp('tp_000', x_a_j, phi_a, params) + _tp('tp_110', x_v_j, phi_v, params) + _tp('tp_220', x_d_j, phi_d, params)
    psi_v = _tp('tp_011', x_a_j, phi_v, params) + _tp('tp_101', x_v_j, phi_a, params) + _tp('tp_211', x_d_j, phi_v, params)
    psi_d = _tp('tp_112', x_v_j, phi_v, params) + _tp('tp_202', x_d_j, phi_a, params) + _tp('tp_222', x_d_j, phi_d, params)
    n = x_a.shape[0]
    B_a = jax.ops.segment_sum(psi_a, src, num_segments=n)
    B_v = jax.ops.segment_sum(psi_v, src, num_segments=n)
    B_d = jax.ops.segment_sum(psi_d, src, num_segments=n)
    return (B_a, B_v, B_d)

def setup_inputs(seed: int = 0):
    key = jax.random.key(seed)
    graph = jax.random.randint(jax.random.fold_in(key, 100), (2, N_EDGES), 0, N_NODES, dtype=jnp.int32)
    r_ij = jax.random.normal(jax.random.fold_in(key, 101), (N_EDGES, 3), dtype=jnp.float32)
    x_a = jax.random.normal(jax.random.fold_in(key, 102), (N_NODES, DIM_A), dtype=jnp.float32)
    x_v = jax.random.normal(jax.random.fold_in(key, 103), (N_NODES, DIM_V, 3), dtype=jnp.float32)
    x_d = jax.random.normal(jax.random.fold_in(key, 104), (N_NODES, DIM_D, 3, 3), dtype=jnp.float32)
    params = make_params(jax.random.fold_in(key, 200))
    return {'graph': graph, 'r_ij': r_ij, 'x_a': x_a, 'x_v': x_v, 'x_d': x_d, 'params': params}

def reference(graph, r_ij, x_a, x_v, x_d, params):
    return forward_core(graph, r_ij, x_a, x_v, x_d, params)

if __name__ == "__main__":
    import jax
    _d = setup_inputs()
    print(jax.jit(kernel)(*tuple(_d.values())))

</pallas_src>

<mosaic_0001>
#map = affine_map<(d0, d1) -> (0, 0)>
#map1 = affine_map<(d0, d1) -> (0)>
module attributes {stable_mosaic.version = 14 : i64} {
  func.func @k(%arg0: i32, %arg1: i32, %arg2: memref<800000x80xf32, #tpu.memory_space<hbm>>, %arg3: memref<800000xi32, #tpu.memory_space<hbm>>, %arg4: memref<1000x40xf32, #tpu.memory_space<hbm>>, %arg5: memref<50000x80xf32, #tpu.memory_space<hbm>>, %arg6: memref<128xi32, #tpu.memory_space<vmem>>, %arg7: memref<128x40xf32, #tpu.memory_space<vmem>>, %arg8: memref<50000x40xf32, #tpu.memory_space<vmem_shared>>) attributes {dimension_semantics = [#tpu.dimension_semantics<core_parallel>, #tpu.dimension_semantics<subcore_parallel>], iteration_bounds = array<i64: 2, 16>, scalar_prefetch = 0 : i64, scratch_operands = 3 : i64, tpu.core_type = #tpu.core_type<sc_vector_subcore>, window_params = [{transform_indices = #map}, {transform_indices = #map1}, {transform_indices = #map}, {transform_indices = #map}]} {
    %scan3A = arith.constant 0 : i32
    %scan3A_0 = arith.constant 0 : i32
    %scan3A_1 = arith.constant 4 : i32
    %scan3A_2 = arith.addi %scan3A_0, %scan3A_1 : i32
    %scan3A_3 = arith.constant 1 : i32
    scf.for %scan3A_18 = %scan3A_0 to %scan3A_2 step %scan3A_3  : i32 {
      %mul3A = arith.constant 16 : i32
      %mul3A_19 = arith.muli %scan3A_18, %mul3A : i32
      %add3A = arith.addi %mul3A_19, %arg1 : i32
      %lt3A = arith.constant 50 : i32
      %lt3A_20 = arith.cmpi slt, %add3A, %lt3A : i32
      %convert_element_type3A = arith.extui %lt3A_20 : i1 to i32
      %cond3A = arith.constant 0 : i32
      %cond3A_21 = arith.cmpi ne, %convert_element_type3A, %cond3A : i32
      scf.if %cond3A_21 {
        %mul3A_22 = arith.constant 1000 : i32
        %mul3A_23 = arith.muli %add3A, %mul3A_22 : i32
        "tpu.region"() ({
          %run_scoped3A = tpu.sem_alloc : memref<!tpu.dma_semaphore, #tpu.memory_space<semaphore_mem>>
          %dma_start3A = arith.constant 0 : i32
          %dma_start3A_24 = tpu.memref_slice %arg8[%mul3A_23, %dma_start3A] : memref<50000x40xf32, #tpu.memory_space<vmem_shared>> -> memref<1000x40xf32, #tpu.memory_space<vmem_shared>>
          tpu.enqueue_dma source(%arg4 : memref<1000x40xf32, #tpu.memory_space<hbm>>) target(%dma_start3A_24 : memref<1000x40xf32, #tpu.memory_space<vmem_shared>>) target_semaphore(%run_scoped3A : memref<!tpu.dma_semaphore, #tpu.memory_space<semaphore_mem>>)
          %dma_wait3A = arith.constant 0 : i32
          %dma_wait3A_25 = tpu.memref_slice %arg8[%mul3A_23, %dma_wait3A] : memref<50000x40xf32, #tpu.memory_space<vmem_shared>> -> memref<1000x40xf32, #tpu.memory_space<vmem_shared>>
          tpu.wait_dma2 semaphore(%run_scoped3A : memref<!tpu.dma_semaphore, #tpu.memory_space<semaphore_mem>>) src(%arg4 : memref<1000x40xf32, #tpu.memory_space<hbm>>) dst(%dma_wait3A_25 : memref<1000x40xf32, #tpu.memory_space<vmem_shared>>)
          tpu.yield
        }) : () -> ()
      } else {
      }
    }
    %scan3A_4 = arith.constant 4 : i32
    %barrier3A = arith.constant 0 : index
    tpu.barrier barrier_id(%barrier3A)
    %scan3A_5 = arith.constant 0 : i32
    %scan3A_6 = arith.constant 0 : i32
    %scan3A_7 = arith.constant 391 : i32
    %scan3A_8 = arith.addi %scan3A_6, %scan3A_7 : i32
    %scan3A_9 = arith.constant 1 : i32
    scf.for %scan3A_18 = %scan3A_6 to %scan3A_8 step %scan3A_9  : i32 {
      %mul3A = arith.constant 16 : i32
      %mul3A_19 = arith.muli %scan3A_18, %mul3A : i32
      %add3A = arith.addi %mul3A_19, %arg1 : i32
      %lt3A = arith.constant 6250 : i32
      %lt3A_20 = arith.cmpi slt, %add3A, %lt3A : i32
      %convert_element_type3A = arith.extui %lt3A_20 : i1 to i32
      %cond3A = arith.constant 0 : i32
      %cond3A_21 = arith.cmpi ne, %convert_element_type3A, %cond3A : i32
      scf.if %cond3A_21 {
        %mul3A_22 = arith.constant 128 : i32
        %mul3A_23 = arith.muli %add3A, %mul3A_22 : i32
        "tpu.region"() ({
          %run_scoped3A = tpu.sem_alloc : memref<!tpu.dma_semaphore, #tpu.memory_space<semaphore_mem>>
          %dma_start3A = tpu.memref_slice %arg3[%mul3A_23] : memref<800000xi32, #tpu.memory_space<hbm>> -> memref<128xi32, #tpu.memory_space<hbm>>
          %dma_start3A_26 = tpu.memref_slice %arg3[%mul3A_23] : memref<800000xi32, #tpu.memory_space<hbm>> -> memref<128xi32, #tpu.memory_space<hbm>>
          tpu.enqueue_dma source(%dma_start3A_26 : memref<128xi32, #tpu.memory_space<hbm>>) target(%arg6 : memref<128xi32, #tpu.memory_space<vmem>>) target_semaphore(%run_scoped3A : memref<!tpu.dma_semaphore, #tpu.memory_space<semaphore_mem>>)
          %dma_wait3A = tpu.memref_slice %arg3[%mul3A_23] : memref<800000xi32, #tpu.memory_space<hbm>> -> memref<128xi32, #tpu.memory_space<hbm>>
          %dma_wait3A_27 = tpu.memref_slice %arg3[%mul3A_23] : memref<800000xi32, #tpu.memory_space<hbm>> -> memref<128xi32, #tpu.memory_space<hbm>>
          tpu.wait_dma2 semaphore(%run_scoped3A : memref<!tpu.dma_semaphore, #tpu.memory_space<semaphore_mem>>) src(%dma_wait3A_27 : memref<128xi32, #tpu.memory_space<hbm>>) dst(%arg6 : memref<128xi32, #tpu.memory_space<vmem>>)
          tpu.yield
        }) : () -> ()
        %mul3A_24 = arith.constant 40 : i32
        %mul3A_25 = arith.muli %arg0, %mul3A_24 : i32
        "tpu.region"() ({
          %run_scoped3A = tpu.sem_alloc : memref<!tpu.dma_semaphore, #tpu.memory_space<semaphore_mem>>
          %dma_start3A = tpu.memref_slice %arg2[%mul3A_23, %mul3A_25] : memref<800000x80xf32, #tpu.memory_space<hbm>> -> memref<128x40xf32, #tpu.memory_space<hbm>>
          %dma_start3A_26 = tpu.memref_slice %arg2[%mul3A_23, %mul3A_25] : memref<800000x80xf32, #tpu.memory_space<hbm>> -> memref<128x40xf32, #tpu.memory_space<hbm>>
          tpu.enqueue_dma source(%dma_start3A_26 : memref<128x40xf32, #tpu.memory_space<hbm>>) target(%arg7 : memref<128x40xf32, #tpu.memory_space<vmem>>) target_semaphore(%run_scoped3A : memref<!tpu.dma_semaphore, #tpu.memory_space<semaphore_mem>>)
          %dma_wait3A = tpu.memref_slice %arg2[%mul3A_23, %mul3A_25] : memref<800000x80xf32, #tpu.memory_space<hbm>> -> memref<128x40xf32, #tpu.memory_space<hbm>>
          %dma_wait3A_27 = tpu.memref_slice %arg2[%mul3A_23, %mul3A_25] : memref<800000x80xf32, #tpu.memory_space<hbm>> -> memref<128x40xf32, #tpu.memory_space<hbm>>
          tpu.wait_dma2 semaphore(%run_scoped3A : memref<!tpu.dma_semaphore, #tpu.memory_space<semaphore_mem>>) src(%dma_wait3A_27 : memref<128x40xf32, #tpu.memory_space<hbm>>) dst(%arg7 : memref<128x40xf32, #tpu.memory_space<vmem>>)
          tpu.yield
        }) : () -> ()
        "tpu.region"() ({
          %run_scoped3A = tpu.sem_alloc : memref<!tpu.dma_semaphore, #tpu.memory_space<semaphore_mem>>
          %dma_start3A = arith.constant 0 : i32
          %dma_start3A_26 = arith.constant 0 : i32
          %dma_start3A_27 = tpu.memref_slice %arg8[%dma_start3A, %dma_start3A_26] : memref<50000x40xf32, #tpu.memory_space<vmem_shared>> -> memref<50000x40xf32, #tpu.memory_space<vmem_shared>>
          tpu.enqueue_indirect_dma source(%arg7 : memref<128x40xf32, #tpu.memory_space<vmem>>) target(%dma_start3A_27 : memref<50000x40xf32, #tpu.memory_space<vmem_shared>>) offsets(%arg6 : memref<128xi32, #tpu.memory_space<vmem>>) semaphore(%run_scoped3A : memref<!tpu.dma_semaphore, #tpu.memory_space<semaphore_mem>>) {add = true}
          %dma_wait3A = arith.constant 0 : i32
          %dma_wait3A_28 = arith.constant 0 : i32
          %dma_wait3A_29 = tpu.memref_slice %arg8[%dma_wait3A, %dma_wait3A_28] : memref<50000x40xf32, #tpu.memory_space<vmem_shared>> -> memref<50000x40xf32, #tpu.memory_space<vmem_shared>>
          tpu.wait_indirect_dma semaphore(%run_scoped3A : memref<!tpu.dma_semaphore, #tpu.memory_space<semaphore_mem>>) src(%arg7 : memref<128x40xf32, #tpu.memory_space<vmem>>) dst(%dma_wait3A_29 : memref<50000x40xf32, #tpu.memory_space<vmem_shared>>)
          tpu.yield
        }) : () -> ()
      } else {
      }
    }
    %scan3A_10 = arith.constant 391 : i32
    %barrier3A_11 = arith.constant 0 : index
    tpu.barrier barrier_id(%barrier3A_11)
    %scan3A_12 = arith.constant 0 : i32
    %scan3A_13 = arith.constant 0 : i32
    %scan3A_14 = arith.constant 4 : i32
    %scan3A_15 = arith.addi %scan3A_13, %scan3A_14 : i32
    %scan3A_16 = arith.constant 1 : i32
    scf.for %scan3A_18 = %scan3A_13 to %scan3A_15 step %scan3A_16  : i32 {
      %mul3A = arith.constant 16 : i32
      %mul3A_19 = arith.muli %scan3A_18, %mul3A : i32
      %add3A = arith.addi %mul3A_19, %arg1 : i32
      %lt3A = arith.constant 50 : i32
      %lt3A_20 = arith.cmpi slt, %add3A, %lt3A : i32
      %convert_element_type3A = arith.extui %lt3A_20 : i1 to i32
      %cond3A = arith.constant 0 : i32
      %cond3A_21 = arith.cmpi ne, %convert_element_type3A, %cond3A : i32
      scf.if %cond3A_21 {
        %mul3A_22 = arith.constant 1000 : i32
        %mul3A_23 = arith.muli %add3A, %mul3A_22 : i32
        %mul3A_24 = arith.constant 1000 : i32
        %mul3A_25 = arith.muli %add3A, %mul3A_24 : i32
        %mul3A_26 = arith.constant 40 : i32
        %mul3A_27 = arith.muli %arg0, %mul3A_26 : i32
        "tpu.region"() ({
          %run_scoped3A = tpu.sem_alloc : memref<!tpu.dma_semaphore, #tpu.memory_space<semaphore_mem>>
          %dma_start3A = tpu.memref_slice %arg5[%mul3A_25, %mul3A_27] : memref<50000x80xf32, #tpu.memory_space<hbm>> -> memref<1000x40xf32, #tpu.memory_space<hbm>>
          %dma_start3A_28 = arith.constant 0 : i32
          %dma_start3A_29 = tpu.memref_slice %arg8[%mul3A_23, %dma_start3A_28] : memref<50000x40xf32, #tpu.memory_space<vmem_shared>> -> memref<1000x40xf32, #tpu.memory_space<vmem_shared>>
          tpu.enqueue_dma source(%dma_start3A_29 : memref<1000x40xf32, #tpu.memory_space<vmem_shared>>) target(%dma_start3A : memref<1000x40xf32, #tpu.memory_space<hbm>>) target_semaphore(%run_scoped3A : memref<!tpu.dma_semaphore, #tpu.memory_space<semaphore_mem>>)
          %dma_wait3A = tpu.memref_slice %arg5[%mul3A_25, %mul3A_27] : memref<50000x80xf32, #tpu.memory_space<hbm>> -> memref<1000x40xf32, #tpu.memory_space<hbm>>
          %dma_wait3A_30 = arith.constant 0 : i32
          %dma_wait3A_31 = tpu.memref_slice %arg8[%mul3A_23, %dma_wait3A_30] : memref<50000x40xf32, #tpu.memory_space<vmem_shared>> -> memref<1000x40xf32, #tpu.memory_space<vmem_shared>>
          tpu.wait_dma2 semaphore(%run_scoped3A : memref<!tpu.dma_semaphore, #tpu.memory_space<semaphore_mem>>) src(%dma_wait3A_31 : memref<1000x40xf32, #tpu.memory_space<vmem_shared>>) dst(%dma_wait3A : memref<1000x40xf32, #tpu.memory_space<hbm>>)
          tpu.yield
        }) : () -> ()
      } else {
      }
    }
    %scan3A_17 = arith.constant 4 : i32
    return
  }
}

#map = affine_map<(d0, d1) -> (0, 0)>
#map1 = affine_map<(d0, d1) -> (0)>
module attributes {stable_mosaic.version = 14 : i64} {
  func.func @k(%arg0: i32, %arg1: i32, %arg2: memref<50000x80xf32, #tpu.memory_space<hbm>>, %arg3: memref<800000xi32, #tpu.memory_space<hbm>>, %arg4: memref<800000x80xf32, #tpu.memory_space<hbm>>, %arg5: memref<1000xi32, #tpu.memory_space<vmem>>, %arg6: memref<1000x80xf32, #tpu.memory_space<vmem>>, %arg7: memref<!tpu.dma_semaphore, #tpu.memory_space<semaphore_mem>>) attributes {dimension_semantics = [#tpu.dimension_semantics<core_parallel>, #tpu.dimension_semantics<subcore_parallel>], iteration_bounds = array<i64: 2, 16>, scalar_prefetch = 0 : i64, scratch_operands = 3 : i64, tpu.core_type = #tpu.core_type<sc_vector_subcore>, window_params = [{transform_indices = #map}, {transform_indices = #map1}, {transform_indices = #map}]} {
    %mul3A = arith.constant 2 : i32
    %mul3A_0 = arith.muli %arg1, %mul3A : i32
    %add3A = arith.addi %mul3A_0, %arg0 : i32
    %mul3A_1 = arith.constant 25000 : i32
    %mul3A_2 = arith.muli %add3A, %mul3A_1 : i32
    %scan3A = arith.constant 0 : i32
    %scan3A_3 = arith.constant 0 : i32
    %scan3A_4 = arith.constant 25 : i32
    %scan3A_5 = arith.addi %scan3A_3, %scan3A_4 : i32
    %scan3A_6 = arith.constant 1 : i32
    scf.for %scan3A_8 = %scan3A_3 to %scan3A_5 step %scan3A_6  : i32 {
      %mul3A_9 = arith.constant 1000 : i32
      %mul3A_10 = arith.muli %scan3A_8, %mul3A_9 : i32
      %add3A_11 = arith.addi %mul3A_2, %mul3A_10 : i32
      "tpu.region"() ({
        %run_scoped3A = tpu.sem_alloc : memref<!tpu.dma_semaphore, #tpu.memory_space<semaphore_mem>>
        %dma_start3A_16 = tpu.memref_slice %arg3[%add3A_11] : memref<800000xi32, #tpu.memory_space<hbm>> -> memref<1000xi32, #tpu.memory_space<hbm>>
        %dma_start3A_17 = tpu.memref_slice %arg3[%add3A_11] : memref<800000xi32, #tpu.memory_space<hbm>> -> memref<1000xi32, #tpu.memory_space<hbm>>
        tpu.enqueue_dma source(%dma_start3A_17 : memref<1000xi32, #tpu.memory_space<hbm>>) target(%arg5 : memref<1000xi32, #tpu.memory_space<vmem>>) target_semaphore(%run_scoped3A : memref<!tpu.dma_semaphore, #tpu.memory_space<semaphore_mem>>)
        %dma_wait3A_18 = tpu.memref_slice %arg3[%add3A_11] : memref<800000xi32, #tpu.memory_space<hbm>> -> memref<1000xi32, #tpu.memory_space<hbm>>
        %dma_wait3A_19 = tpu.memref_slice %arg3[%add3A_11] : memref<800000xi32, #tpu.memory_space<hbm>> -> memref<1000xi32, #tpu.memory_space<hbm>>
        tpu.wait_dma2 semaphore(%run_scoped3A : memref<!tpu.dma_semaphore, #tpu.memory_space<semaphore_mem>>) src(%dma_wait3A_19 : memref<1000xi32, #tpu.memory_space<hbm>>) dst(%arg5 : memref<1000xi32, #tpu.memory_space<vmem>>)
        tpu.yield
      }) : () -> ()
      %dma_start3A = arith.constant 0 : i32
      %dma_start3A_12 = arith.constant 0 : i32
      %dma_start3A_13 = tpu.memref_slice %arg2[%dma_start3A, %dma_start3A_12] : memref<50000x80xf32, #tpu.memory_space<hbm>> -> memref<50000x80xf32, #tpu.memory_space<hbm>>
      tpu.enqueue_indirect_dma source(%dma_start3A_13 : memref<50000x80xf32, #tpu.memory_space<hbm>>) target(%arg6 : memref<1000x80xf32, #tpu.memory_space<vmem>>) offsets(%arg5 : memref<1000xi32, #tpu.memory_space<vmem>>) semaphore(%arg7 : memref<!tpu.dma_semaphore, #tpu.memory_space<semaphore_mem>>)
      %dma_wait3A = arith.constant 0 : i32
      %dma_wait3A_14 = arith.constant 0 : i32
      %dma_wait3A_15 = tpu.memref_slice %arg2[%dma_wait3A, %dma_wait3A_14] : memref<50000x80xf32, #tpu.memory_space<hbm>> -> memref<50000x80xf32, #tpu.memory_space<hbm>>
      tpu.wait_indirect_dma semaphore(%arg7 : memref<!tpu.dma_semaphore, #tpu.memory_space<semaphore_mem>>) src(%dma_wait3A_15 : memref<50000x80xf32, #tpu.memory_space<hbm>>) dst(%arg6 : memref<1000x80xf32, #tpu.memory_space<vmem>>)
      "tpu.region"() ({
        %run_scoped3A = tpu.sem_alloc : memref<!tpu.dma_semaphore, #tpu.memory_space<semaphore_mem>>
        %dma_start3A_16 = arith.constant 0 : i32
        %dma_start3A_17 = tpu.memref_slice %arg4[%add3A_11, %dma_start3A_16] : memref<800000x80xf32, #tpu.memory_space<hbm>> -> memref<1000x80xf32, #tpu.memory_space<hbm>>
        %dma_start3A_18 = arith.constant 0 : i32
        %dma_start3A_19 = tpu.memref_slice %arg4[%add3A_11, %dma_start3A_18] : memref<800000x80xf32, #tpu.memory_space<hbm>> -> memref<1000x80xf32, #tpu.memory_space<hbm>>
        tpu.enqueue_dma source(%arg6 : memref<1000x80xf32, #tpu.memory_space<vmem>>) target(%dma_start3A_19 : memref<1000x80xf32, #tpu.memory_space<hbm>>) target_semaphore(%run_scoped3A : memref<!tpu.dma_semaphore, #tpu.memory_space<semaphore_mem>>)
        %dma_wait3A_20 = arith.constant 0 : i32
        %dma_wait3A_21 = tpu.memref_slice %arg4[%add3A_11, %dma_wait3A_20] : memref<800000x80xf32, #tpu.memory_space<hbm>> -> memref<1000x80xf32, #tpu.memory_space<hbm>>
        %dma_wait3A_22 = arith.constant 0 : i32
        %dma_wait3A_23 = tpu.memref_slice %arg4[%add3A_11, %dma_wait3A_22] : memref<800000x80xf32, #tpu.memory_space<hbm>> -> memref<1000x80xf32, #tpu.memory_space<hbm>>
        tpu.wait_dma2 semaphore(%run_scoped3A : memref<!tpu.dma_semaphore, #tpu.memory_space<semaphore_mem>>) src(%arg6 : memref<1000x80xf32, #tpu.memory_space<vmem>>) dst(%dma_wait3A_23 : memref<1000x80xf32, #tpu.memory_space<hbm>>)
        tpu.yield
      }) : () -> ()
    }
    %scan3A_7 = arith.constant 25 : i32
    return
  }
}

module attributes {stable_mosaic.version = 14 : i64} {
  func.func @_tc_body(%arg0: i32, %arg1: memref<3200x80xf32, #tpu.memory_space<vmem>>, %arg2: memref<8x3200xf32, #tpu.memory_space<vmem>>, %arg3: memref<384x80xf32, #tpu.memory_space<vmem>>, %arg4: memref<72x8xf32, #tpu.memory_space<vmem>>, %arg5: memref<16x24xf32, #tpu.memory_space<vmem>>, %arg6: memref<8x8xf32, #tpu.memory_space<vmem>>, %arg7: memref<8x8xf32, #tpu.memory_space<vmem>>, %arg8: memref<8x8xf32, #tpu.memory_space<vmem>>, %arg9: memref<4x8xf32, #tpu.memory_space<vmem>>, %arg10: memref<4x8xf32, #tpu.memory_space<vmem>>, %arg11: memref<4x8xf32, #tpu.memory_space<vmem>>, %arg12: memref<3200x80xf32, #tpu.memory_space<vmem>>) attributes {dimension_semantics = [#tpu.dimension_semantics<arbitrary>], iteration_bounds = array<i64: 250>, scalar_prefetch = 0 : i64, scratch_operands = 0 : i64, tpu.core_type = #tpu.core_type<tc>, window_params = [{transform_indices = @transform_0, window_bounds = array<i64: 3200, 80>}, {transform_indices = @transform_1, window_bounds = array<i64: 8, 3200>}, {pipeline_mode = #tpu.pipeline_mode<synchronous>, transform_indices = @transform_2, window_bounds = array<i64: 384, 80>}, {pipeline_mode = #tpu.pipeline_mode<synchronous>, transform_indices = @transform_3, window_bounds = array<i64: 72, 8>}, {pipeline_mode = #tpu.pipeline_mode<synchronous>, transform_indices = @transform_4, window_bounds = array<i64: 16, 24>}, {pipeline_mode = #tpu.pipeline_mode<synchronous>, transform_indices = @transform_5, window_bounds = array<i64: 8, 8>}, {pipeline_mode = #tpu.pipeline_mode<synchronous>, transform_indices = @transform_6, window_bounds = array<i64: 8, 8>}, {pipeline_mode = #tpu.pipeline_mode<synchronous>, transform_indices = @transform_7, window_bounds = array<i64: 8, 8>}, {pipeline_mode = #tpu.pipeline_mode<synchronous>, transform_indices = @transform_8, window_bounds = array<i64: 4, 8>}, {pipeline_mode = #tpu.pipeline_mode<synchronous>, transform_indices = @transform_9, window_bounds = array<i64: 4, 8>}, {pipeline_mode = #tpu.pipeline_mode<synchronous>, transform_indices = @transform_10, window_bounds = array<i64: 4, 8>}, {transform_indices = @transform_11, window_bounds = array<i64: 3200, 80>}]} {
    %get3A = arith.constant 0 : index
    %get3A_0 = arith.constant 0 : index
    %get3A_1 = vector.load %arg1[%get3A, %get3A_0] : memref<3200x80xf32, #tpu.memory_space<vmem>>, vector<3200x80xf32>
    %get3A_2 = arith.constant 0 : index
    %get3A_3 = arith.constant 0 : index
    %get3A_4 = vector.load %arg2[%get3A_2, %get3A_3] : memref<8x3200xf32, #tpu.memory_space<vmem>>, vector<8x3200xf32>
    %slice3A = vector.extract_strided_slice %get3A_4 {offsets = [0, 0], sizes = [3, 3200], strides = [1, 1]} : vector<8x3200xf32> to vector<3x3200xf32>
    %mul3A = arith.mulf %slice3A, %slice3A : vector<3x3200xf32>
    %reduce_sum3A = arith.constant dense<0.000000e+00> : vector<3200xf32>
    %reduce_sum3A_5 = vector.multi_reduction <add>, %mul3A, %reduce_sum3A [0] : vector<3x3200xf32> to vector<3200xf32>
    %broadcast_in_dim3A = vector.shape_cast %reduce_sum3A_5 : vector<3200xf32> to vector<1x3200xf32>
    %div3A = arith.constant 5.000000e+00 : f32
    %div3A_6 = vector.broadcast %div3A : f32 to vector<1x3200xf32>
    %div3A_7 = arith.divf %broadcast_in_dim3A, %div3A_6 : vector<1x3200xf32>
    %sqrt3A = math.sqrt %div3A_7 : vector<1x3200xf32>
    %iota3A = tpu.iota {dimensions = array<i32: 0>} : vector<8x1xi32>
    %convert_element_type3A = arith.sitofp %iota3A : vector<8x1xi32> to vector<8x1xf32>
    %mul3A_8 = arith.constant 3.14159274 : f32
    %mul3A_9 = vector.broadcast %mul3A_8 : f32 to vector<8x1xf32>
    %mul3A_10 = arith.mulf %mul3A_9, %convert_element_type3A : vector<8x1xf32>
    %sub3A = arith.constant 1.000000e+00 : f32
    %sub3A_11 = vector.broadcast %sub3A : f32 to vector<1x3200xf32>
    %sub3A_12 = arith.subf %sub3A_11, %div3A_7 : vector<1x3200xf32>
    %max3A = arith.constant 0.000000e+00 : f32
    %max3A_13 = vector.broadcast %max3A : f32 to vector<1x3200xf32>
    %max3A_14 = arith.maximumf %sub3A_12, %max3A_13 : vector<1x3200xf32>
    %mul3A_15 = vector.broadcast %mul3A_10 : vector<8x1xf32> to vector<8x3200xf32>
    %mul3A_16 = vector.broadcast %sqrt3A : vector<1x3200xf32> to vector<8x3200xf32>
    %mul3A_17 = arith.mulf %mul3A_15, %mul3A_16 : vector<8x3200xf32>
    %cos3A = math.cos %mul3A_17 : vector<8x3200xf32>
    %mul3A_18 = vector.broadcast %max3A_14 : vector<1x3200xf32> to vector<8x3200xf32>
    %mul3A_19 = arith.mulf %cos3A, %mul3A_18 : vector<8x3200xf32>
    %mul3A_20 = arith.constant 3.400000e+00 : f32
    %mul3A_21 = vector.broadcast %mul3A_20 : f32 to vector<3x3200xf32>
    %mul3A_22 = arith.mulf %slice3A, %mul3A_21 : vector<3x3200xf32>
    %mul3A_23 = arith.mulf %mul3A_22, %mul3A_22 : vector<3x3200xf32>
    %reduce_sum3A_24 = arith.constant dense<0.000000e+00> : vector<3200xf32>
    %reduce_sum3A_25 = vector.multi_reduction <add>, %mul3A_23, %reduce_sum3A_24 [0] : vector<3x3200xf32> to vector<3200xf32>
    %broadcast_in_dim3A_26 = vector.shape_cast %reduce_sum3A_25 : vector<3200xf32> to vector<1x3200xf32>
    %add3A = arith.constant 9.99999996E-13 : f32
    %add3A_27 = vector.broadcast %add3A : f32 to vector<1x3200xf32>
    %add3A_28 = arith.addf %broadcast_in_dim3A_26, %add3A_27 : vector<1x3200xf32>
    %sqrt3A_29 = math.sqrt %add3A_28 : vector<1x3200xf32>
    %tanh3A = math.tanh %sqrt3A_29 : vector<1x3200xf32>
    %div3A_30 = arith.divf %tanh3A, %sqrt3A_29 : vector<1x3200xf32>
    %mul3A_31 = vector.broadcast %div3A_30 : vector<1x3200xf32> to vector<3x3200xf32>
    %mul3A_32 = arith.mulf %mul3A_22, %mul3A_31 : vector<3x3200xf32>
    %slice3A_33 = vector.extract_strided_slice %mul3A_32 {offsets = [0, 0], sizes = [1, 3200], strides = [1, 1]} : vector<3x3200xf32> to vector<1x3200xf32>
    %slice3A_34 = vector.extract_strided_slice %mul3A_32 {offsets = [1, 0], sizes = [1, 3200], strides = [1, 1]} : vector<3x3200xf32> to vector<1x3200xf32>
    %slice3A_35 = vector.extract_strided_slice %mul3A_32 {offsets = [2, 0], sizes = [1, 3200], strides = [1, 1]} : vector<3x3200xf32> to vector<1x3200xf32>
    %get3A_36 = arith.constant 0 : index
    %get3A_37 = arith.constant 0 : index
    %get3A_38 = vector.load %arg4[%get3A_36, %get3A_37] : memref<72x8xf32, #tpu.memory_space<vmem>>, vector<72x8xf32>
    %dot_general3A = arith.constant dense<0.000000e+00> : vector<72x3200xf32>
    %dot_general3A_39 = tpu.matmul %get3A_38, %mul3A_19, %dot_general3A {dimension_numbers = #tpu.dot_dimension_numbers<[1], [0], [0], [1], [0, 0, 1, 1], [], []>, transpose_lhs_hint = false} : vector<72x8xf32>, vector<8x3200xf32>, vector<72x3200xf32> -> vector<72x3200xf32>
    %get3A_40 = arith.constant 0 : index
    %get3A_41 = arith.constant 0 : index
    %get3A_42 = vector.load %arg3[%get3A_40, %get3A_41] : memref<384x80xf32, #tpu.memory_space<vmem>>, vector<384x80xf32>
    %dot_general3A_43 = arith.constant dense<0.000000e+00> : vector<384x3200xf32>
    %dot_general3A_44 = tpu.matmul %get3A_42, %get3A_1, %dot_general3A_43 {dimension_numbers = #tpu.dot_dimension_numbers<[1], [1], [0], [0], [0, 0, 1, 0], [], []>, transpose_lhs_hint = false} : vector<384x80xf32>, vector<3200x80xf32>, vector<384x3200xf32> -> vector<384x3200xf32>
    %slice3A_45 = vector.extract_strided_slice %dot_general3A_39 {offsets = [0, 0], sizes = [8, 3200], strides = [1, 1]} : vector<72x3200xf32> to vector<8x3200xf32>
    %slice3A_46 = vector.extract_strided_slice %dot_general3A_39 {offsets = [8, 0], sizes = [8, 3200], strides = [1, 1]} : vector<72x3200xf32> to vector<8x3200xf32>
    %slice3A_47 = vector.extract_strided_slice %dot_general3A_39 {offsets = [16, 0], sizes = [8, 3200], strides = [1, 1]} : vector<72x3200xf32> to vector<8x3200xf32>
    %slice3A_48 = vector.extract_strided_slice %dot_general3A_39 {offsets = [24, 0], sizes = [8, 3200], strides = [1, 1]} : vector<72x3200xf32> to vector<8x3200xf32>
    %slice3A_49 = vector.extract_strided_slice %dot_general3A_39 {offsets = [32, 0], sizes = [8, 3200], strides = [1, 1]} : vector<72x3200xf32> to vector<8x3200xf32>
    %slice3A_50 = vector.extract_strided_slice %dot_general3A_39 {offsets = [40, 0], sizes = [8, 3200], strides = [1, 1]} : vector<72x3200xf32> to vector<8x3200xf32>
    %slice3A_51 = vector.extract_strided_slice %dot_general3A_39 {offsets = [48, 0], sizes = [8, 3200], strides = [1, 1]} : vector<72x3200xf32> to vector<8x3200xf32>
    %slice3A_52 = vector.extract_strided_slice %dot_general3A_39 {offsets = [56, 0], sizes = [8, 3200], strides = [1, 1]} : vector<72x3200xf32> to vector<8x3200xf32>
    %slice3A_53 = vector.extract_strided_slice %dot_general3A_39 {offsets = [64, 0], sizes = [8, 3200], strides = [1, 1]} : vector<72x3200xf32> to vector<8x3200xf32>
    %slice3A_54 = vector.extract_strided_slice %dot_general3A_44 {offsets = [0, 0], sizes = [8, 3200], strides = [1, 1]} : vector<384x3200xf32> to vector<8x3200xf32>
    %mul3A_55 = arith.mulf %slice3A_54, %slice3A_45 : vector<8x3200xf32>
    %slice3A_56 = vector.extract_strided_slice %dot_general3A_44 {offsets = [16, 0], sizes = [8, 3200], strides = [1, 1]} : vector<384x3200xf32> to vector<8x3200xf32>
    %mul3A_57 = vector.broadcast %slice3A_33 : vector<1x3200xf32> to vector<8x3200xf32>
    %mul3A_58 = arith.mulf %slice3A_56, %mul3A_57 : vector<8x3200xf32>
    %add3A_59 = arith.constant 0.000000e+00 : f32
    %add3A_60 = vector.broadcast %add3A_59 : f32 to vector<8x3200xf32>
    %add3A_61 = arith.addf %add3A_60, %mul3A_58 : vector<8x3200xf32>
    %slice3A_62 = vector.extract_strided_slice %dot_general3A_44 {offsets = [24, 0], sizes = [8, 3200], strides = [1, 1]} : vector<384x3200xf32> to vector<8x3200xf32>
    %mul3A_63 = vector.broadcast %slice3A_34 : vector<1x3200xf32> to vector<8x3200xf32>
    %mul3A_64 = arith.mulf %slice3A_62, %mul3A_63 : vector<8x3200xf32>
    %add3A_65 = arith.addf %add3A_61, %mul3A_64 : vector<8x3200xf32>
    %slice3A_66 = vector.extract_strided_slice %dot_general3A_44 {offsets = [32, 0], sizes = [8, 3200], strides = [1, 1]} : vector<384x3200xf32> to vector<8x3200xf32>
    %mul3A_67 = vector.broadcast %slice3A_35 : vector<1x3200xf32> to vector<8x3200xf32>
    %mul3A_68 = arith.mulf %slice3A_66, %mul3A_67 : vector<8x3200xf32>
    %add3A_69 = arith.addf %add3A_65, %mul3A_68 : vector<8x3200xf32>
    %mul3A_70 = arith.mulf %slice3A_47, %add3A_69 : vector<8x3200xf32>
    %slice3A_71 = vector.extract_strided_slice %dot_general3A_44 {offsets = [88, 0], sizes = [8, 3200], strides = [1, 1]} : vector<384x3200xf32> to vector<8x3200xf32>
    %mul3A_72 = arith.mulf %slice3A_33, %slice3A_33 : vector<1x3200xf32>
    %mul3A_73 = vector.broadcast %mul3A_72 : vector<1x3200xf32> to vector<8x3200xf32>
    %mul3A_74 = arith.mulf %slice3A_71, %mul3A_73 : vector<8x3200xf32>
    %add3A_75 = arith.constant 0.000000e+00 : f32
    %add3A_76 = vector.broadcast %add3A_75 : f32 to vector<8x3200xf32>
    %add3A_77 = arith.addf %add3A_76, %mul3A_74 : vector<8x3200xf32>
    %slice3A_78 = vector.extract_strided_slice %dot_general3A_44 {offsets = [96, 0], sizes = [8, 3200], strides = [1, 1]} : vector<384x3200xf32> to vector<8x3200xf32>
    %mul3A_79 = arith.mulf %slice3A_33, %slice3A_34 : vector<1x3200xf32>
    %mul3A_80 = vector.broadcast %mul3A_79 : vector<1x3200xf32> to vector<8x3200xf32>
    %mul3A_81 = arith.mulf %slice3A_78, %mul3A_80 : vector<8x3200xf32>
    %add3A_82 = arith.addf %add3A_77, %mul3A_81 : vector<8x3200xf32>
    %slice3A_83 = vector.extract_strided_slice %dot_general3A_44 {offsets = [104, 0], sizes = [8, 3200], strides = [1, 1]} : vector<384x3200xf32> to vector<8x3200xf32>
    %mul3A_84 = arith.mulf %slice3A_33, %slice3A_35 : vector<1x3200xf32>
    %mul3A_85 = vector.broadcast %mul3A_84 : vector<1x3200xf32> to vector<8x3200xf32>
    %mul3A_86 = arith.mulf %slice3A_83, %mul3A_85 : vector<8x3200xf32>
    %add3A_87 = arith.addf %add3A_82, %mul3A_86 : vector<8x3200xf32>
    %slice3A_88 = vector.extract_strided_slice %dot_general3A_44 {offsets = [112, 0], sizes = [8, 3200], strides = [1, 1]} : vector<384x3200xf32> to vector<8x3200xf32>
    %mul3A_89 = arith.mulf %slice3A_34, %slice3A_33 : vector<1x3200xf32>
    %mul3A_90 = vector.broadcast %mul3A_89 : vector<1x3200xf32> to vector<8x3200xf32>
    %mul3A_91 = arith.mulf %slice3A_88, %mul3A_90 : vector<8x3200xf32>
    %add3A_92 = arith.addf %add3A_87, %mul3A_91 : vector<8x3200xf32>
    %slice3A_93 = vector.extract_strided_slice %dot_general3A_44 {offsets = [120, 0], sizes = [8, 3200], strides = [1, 1]} : vector<384x3200xf32> to vector<8x3200xf32>
    %mul3A_94 = arith.mulf %slice3A_34, %slice3A_34 : vector<1x3200xf32>
    %mul3A_95 = vector.broadcast %mul3A_94 : vector<1x3200xf32> to vector<8x3200xf32>
    %mul3A_96 = arith.mulf %slice3A_93, %mul3A_95 : vector<8x3200xf32>
    %add3A_97 = arith.addf %add3A_92, %mul3A_96 : vector<8x3200xf32>
    %slice3A_98 = vector.extract_strided_slice %dot_general3A_44 {offsets = [128, 0], sizes = [8, 3200], strides = [1, 1]} : vector<384x3200xf32> to vector<8x3200xf32>
    %mul3A_99 = arith.mulf %slice3A_34, %slice3A_35 : vector<1x3200xf32>
    %mul3A_100 = vector.broadcast %mul3A_99 : vector<1x3200xf32> to vector<8x3200xf32>
    %mul3A_101 = arith.mulf %slice3A_98, %mul3A_100 : vector<8x3200xf32>
    %add3A_102 = arith.addf %add3A_97, %mul3A_101 : vector<8x3200xf32>
    %slice3A_103 = vector.extract_strided_slice %dot_general3A_44 {offsets = [136, 0], sizes = [8, 3200], strides = [1, 1]} : vector<384x3200xf32> to vector<8x3200xf32>
    %mul3A_104 = arith.mulf %slice3A_35, %slice3A_33 : vector<1x3200xf32>
    %mul3A_105 = vector.broadcast %mul3A_104 : vector<1x3200xf32> to vector<8x3200xf32>
    %mul3A_106 = arith.mulf %slice3A_103, %mul3A_105 : vector<8x3200xf32>
    %add3A_107 = arith.addf %add3A_102, %mul3A_106 : vector<8x3200xf32>
    %slice3A_108 = vector.extract_strided_slice %dot_general3A_44 {offsets = [144, 0], sizes = [8, 3200], strides = [1, 1]} : vector<384x3200xf32> to vector<8x3200xf32>
    %mul3A_109 = arith.mulf %slice3A_35, %slice3A_34 : vector<1x3200xf32>
    %mul3A_110 = vector.broadcast %mul3A_109 : vector<1x3200xf32> to vector<8x3200xf32>
    %mul3A_111 = arith.mulf %slice3A_108, %mul3A_110 : vector<8x3200xf32>
    %add3A_112 = arith.addf %add3A_107, %mul3A_111 : vector<8x3200xf32>
    %slice3A_113 = vector.extract_strided_slice %dot_general3A_44 {offsets = [152, 0], sizes = [8, 3200], strides = [1, 1]} : vector<384x3200xf32> to vector<8x3200xf32>
    %mul3A_114 = arith.mulf %slice3A_35, %slice3A_35 : vector<1x3200xf32>
    %mul3A_115 = vector.broadcast %mul3A_114 : vector<1x3200xf32> to vector<8x3200xf32>
    %mul3A_116 = arith.mulf %slice3A_113, %mul3A_115 : vector<8x3200xf32>
    %add3A_117 = arith.addf %add3A_112, %mul3A_116 : vector<8x3200xf32>
    %mul3A_118 = arith.mulf %slice3A_50, %add3A_117 : vector<8x3200xf32>
    %get3A_119 = arith.constant 0 : index
    %get3A_120 = arith.constant 0 : index
    %get3A_121 = vector.load %arg5[%get3A_119, %get3A_120] : memref<16x24xf32, #tpu.memory_space<vmem>>, vector<16x24xf32>
    %concatenate3A = tpu.concatenate %mul3A_55, %mul3A_70, %mul3A_118 in 0 : vector<8x3200xf32>, vector<8x3200xf32>, vector<8x3200xf32> -> vector<24x3200xf32>
    %dot_general3A_122 = arith.constant dense<0.000000e+00> : vector<16x3200xf32>
    %dot_general3A_123 = tpu.matmul %get3A_121, %concatenate3A, %dot_general3A_122 {dimension_numbers = #tpu.dot_dimension_numbers<[1], [0], [0], [1], [0, 0, 1, 1], [], []>, transpose_lhs_hint = false} : vector<16x24xf32>, vector<24x3200xf32>, vector<16x3200xf32> -> vector<16x3200xf32>
    %get3A_124 = arith.constant 0 : index
    %get3A_125 = arith.constant 0 : index
    %get3A_126 = vector.load %arg6[%get3A_124, %get3A_125] : memref<8x8xf32, #tpu.memory_space<vmem>>, vector<8x8xf32>
    %slice3A_127 = vector.extract_strided_slice %dot_general3A_44 {offsets = [8, 0], sizes = [8, 3200], strides = [1, 1]} : vector<384x3200xf32> to vector<8x3200xf32>
    %mul3A_128 = arith.mulf %slice3A_127, %slice3A_46 : vector<8x3200xf32>
    %dot_general3A_129 = arith.constant dense<0.000000e+00> : vector<8x3200xf32>
    %dot_general3A_130 = tpu.matmul %get3A_126, %mul3A_128, %dot_general3A_129 {dimension_numbers = #tpu.dot_dimension_numbers<[1], [0], [0], [1], [0, 0, 1, 1], [], []>, transpose_lhs_hint = false} : vector<8x8xf32>, vector<8x3200xf32>, vector<8x3200xf32> -> vector<8x3200xf32>
    %get3A_131 = arith.constant 0 : index
    %get3A_132 = arith.constant 0 : index
    %get3A_133 = vector.load %arg7[%get3A_131, %get3A_132] : memref<8x8xf32, #tpu.memory_space<vmem>>, vector<8x8xf32>
    %slice3A_134 = vector.extract_strided_slice %dot_general3A_44 {offsets = [40, 0], sizes = [8, 3200], strides = [1, 1]} : vector<384x3200xf32> to vector<8x3200xf32>
    %mul3A_135 = arith.mulf %slice3A_134, %slice3A_48 : vector<8x3200xf32>
    %dot_general3A_136 = arith.constant dense<0.000000e+00> : vector<8x3200xf32>
    %dot_general3A_137 = tpu.matmul %get3A_133, %mul3A_135, %dot_general3A_136 {dimension_numbers = #tpu.dot_dimension_numbers<[1], [0], [0], [1], [0, 0, 1, 1], [], []>, transpose_lhs_hint = false} : vector<8x8xf32>, vector<8x3200xf32>, vector<8x3200xf32> -> vector<8x3200xf32>
    %slice3A_138 = vector.extract_strided_slice %dot_general3A_44 {offsets = [160, 0], sizes = [8, 3200], strides = [1, 1]} : vector<384x3200xf32> to vector<8x3200xf32>
    %mul3A_139 = vector.broadcast %slice3A_33 : vector<1x3200xf32> to vector<8x3200xf32>
    %mul3A_140 = arith.mulf %slice3A_138, %mul3A_139 : vector<8x3200xf32>
    %add3A_141 = arith.constant 0.000000e+00 : f32
    %add3A_142 = vector.broadcast %add3A_141 : f32 to vector<8x3200xf32>
    %add3A_143 = arith.addf %add3A_142, %mul3A_140 : vector<8x3200xf32>
    %slice3A_144 = vector.extract_strided_slice %dot_general3A_44 {offsets = [168, 0], sizes = [8, 3200], strides = [1, 1]} : vector<384x3200xf32> to vector<8x3200xf32>
    %mul3A_145 = vector.broadcast %slice3A_34 : vector<1x3200xf32> to vector<8x3200xf32>
    %mul3A_146 = arith.mulf %slice3A_144, %mul3A_145 : vector<8x3200xf32>
    %add3A_147 = arith.addf %add3A_143, %mul3A_146 : vector<8x3200xf32>
    %slice3A_148 = vector.extract_strided_slice %dot_general3A_44 {offsets = [176, 0], sizes = [8, 3200], strides = [1, 1]} : vector<384x3200xf32> to vector<8x3200xf32>
    %mul3A_149 = vector.broadcast %slice3A_35 : vector<1x3200xf32> to vector<8x3200xf32>
    %mul3A_150 = arith.mulf %slice3A_148, %mul3A_149 : vector<8x3200xf32>
    %add3A_151 = arith.addf %add3A_147, %mul3A_150 : vector<8x3200xf32>
    %get3A_152 = arith.constant 0 : index
    %get3A_153 = arith.constant 0 : index
    %get3A_154 = vector.load %arg8[%get3A_152, %get3A_153] : memref<8x8xf32, #tpu.memory_space<vmem>>, vector<8x8xf32>
    %mul3A_155 = arith.mulf %slice3A_51, %add3A_151 : vector<8x3200xf32>
    %dot_general3A_156 = arith.constant dense<0.000000e+00> : vector<8x3200xf32>
    %dot_general3A_157 = tpu.matmul %get3A_154, %mul3A_155, %dot_general3A_156 {dimension_numbers = #tpu.dot_dimension_numbers<[1], [0], [0], [1], [0, 0, 1, 1], [], []>, transpose_lhs_hint = false} : vector<8x8xf32>, vector<8x3200xf32>, vector<8x3200xf32> -> vector<8x3200xf32>
    %mul3A_158 = vector.broadcast %slice3A_33 : vector<1x3200xf32> to vector<8x3200xf32>
    %mul3A_159 = arith.mulf %dot_general3A_130, %mul3A_158 : vector<8x3200xf32>
    %add3A_160 = arith.addf %mul3A_159, %dot_general3A_137 : vector<8x3200xf32>
    %add3A_161 = arith.addf %add3A_160, %dot_general3A_157 : vector<8x3200xf32>
    %get3A_162 = arith.constant 0 : index
    %get3A_163 = arith.constant 0 : index
    %get3A_164 = vector.load %arg7[%get3A_162, %get3A_163] : memref<8x8xf32, #tpu.memory_space<vmem>>, vector<8x8xf32>
    %slice3A_165 = vector.extract_strided_slice %dot_general3A_44 {offsets = [48, 0], sizes = [8, 3200], strides = [1, 1]} : vector<384x3200xf32> to vector<8x3200xf32>
    %mul3A_166 = arith.mulf %slice3A_165, %slice3A_48 : vector<8x3200xf32>
    %dot_general3A_167 = arith.constant dense<0.000000e+00> : vector<8x3200xf32>
    %dot_general3A_168 = tpu.matmul %get3A_164, %mul3A_166, %dot_general3A_167 {dimension_numbers = #tpu.dot_dimension_numbers<[1], [0], [0], [1], [0, 0, 1, 1], [], []>, transpose_lhs_hint = false} : vector<8x8xf32>, vector<8x3200xf32>, vector<8x3200xf32> -> vector<8x3200xf32>
    %slice3A_169 = vector.extract_strided_slice %dot_general3A_44 {offsets = [184, 0], sizes = [8, 3200], strides = [1, 1]} : vector<384x3200xf32> to vector<8x3200xf32>
    %mul3A_170 = vector.broadcast %slice3A_33 : vector<1x3200xf32> to vector<8x3200xf32>
    %mul3A_171 = arith.mulf %slice3A_169, %mul3A_170 : vector<8x3200xf32>
    %add3A_172 = arith.constant 0.000000e+00 : f32
    %add3A_173 = vector.broadcast %add3A_172 : f32 to vector<8x3200xf32>
    %add3A_174 = arith.addf %add3A_173, %mul3A_171 : vector<8x3200xf32>
    %slice3A_175 = vector.extract_strided_slice %dot_general3A_44 {offsets = [192, 0], sizes = [8, 3200], strides = [1, 1]} : vector<384x3200xf32> to vector<8x3200xf32>
    %mul3A_176 = vector.broadcast %slice3A_34 : vector<1x3200xf32> to vector<8x3200xf32>
    %mul3A_177 = arith.mulf %slice3A_175, %mul3A_176 : vector<8x3200xf32>
    %add3A_178 = arith.addf %add3A_174, %mul3A_177 : vector<8x3200xf32>
    %slice3A_179 = vector.extract_strided_slice %dot_general3A_44 {offsets = [200, 0], sizes = [8, 3200], strides = [1, 1]} : vector<384x3200xf32> to vector<8x3200xf32>
    %mul3A_180 = vector.broadcast %slice3A_35 : vector<1x3200xf32> to vector<8x3200xf32>
    %mul3A_181 = arith.mulf %slice3A_179, %mul3A_180 : vector<8x3200xf32>
    %add3A_182 = arith.addf %add3A_178, %mul3A_181 : vector<8x3200xf32>
    %get3A_183 = arith.constant 0 : index
    %get3A_184 = arith.constant 0 : index
    %get3A_185 = vector.load %arg8[%get3A_183, %get3A_184] : memref<8x8xf32, #tpu.memory_space<vmem>>, vector<8x8xf32>
    %mul3A_186 = arith.mulf %slice3A_51, %add3A_182 : vector<8x3200xf32>
    %dot_general3A_187 = arith.constant dense<0.000000e+00> : vector<8x3200xf32>
    %dot_general3A_188 = tpu.matmul %get3A_185, %mul3A_186, %dot_general3A_187 {dimension_numbers = #tpu.dot_dimension_numbers<[1], [0], [0], [1], [0, 0, 1, 1], [], []>, transpose_lhs_hint = false} : vector<8x8xf32>, vector<8x3200xf32>, vector<8x3200xf32> -> vector<8x3200xf32>
    %mul3A_189 = vector.broadcast %slice3A_34 : vector<1x3200xf32> to vector<8x3200xf32>
    %mul3A_190 = arith.mulf %dot_general3A_130, %mul3A_189 : vector<8x3200xf32>
    %add3A_191 = arith.addf %mul3A_190, %dot_general3A_168 : vector<8x3200xf32>
    %add3A_192 = arith.addf %add3A_191, %dot_general3A_188 : vector<8x3200xf32>
    %get3A_193 = arith.constant 0 : index
    %get3A_194 = arith.constant 0 : index
    %get3A_195 = vector.load %arg7[%get3A_193, %get3A_194] : memref<8x8xf32, #tpu.memory_space<vmem>>, vector<8x8xf32>
    %slice3A_196 = vector.extract_strided_slice %dot_general3A_44 {offsets = [56, 0], sizes = [8, 3200], strides = [1, 1]} : vector<384x3200xf32> to vector<8x3200xf32>
    %mul3A_197 = arith.mulf %slice3A_196, %slice3A_48 : vector<8x3200xf32>
    %dot_general3A_198 = arith.constant dense<0.000000e+00> : vector<8x3200xf32>
    %dot_general3A_199 = tpu.matmul %get3A_195, %mul3A_197, %dot_general3A_198 {dimension_numbers = #tpu.dot_dimension_numbers<[1], [0], [0], [1], [0, 0, 1, 1], [], []>, transpose_lhs_hint = false} : vector<8x8xf32>, vector<8x3200xf32>, vector<8x3200xf32> -> vector<8x3200xf32>
    %slice3A_200 = vector.extract_strided_slice %dot_general3A_44 {offsets = [208, 0], sizes = [8, 3200], strides = [1, 1]} : vector<384x3200xf32> to vector<8x3200xf32>
    %mul3A_201 = vector.broadcast %slice3A_33 : vector<1x3200xf32> to vector<8x3200xf32>
    %mul3A_202 = arith.mulf %slice3A_200, %mul3A_201 : vector<8x3200xf32>
    %add3A_203 = arith.constant 0.000000e+00 : f32
    %add3A_204 = vector.broadcast %add3A_203 : f32 to vector<8x3200xf32>
    %add3A_205 = arith.addf %add3A_204, %mul3A_202 : vector<8x3200xf32>
    %slice3A_206 = vector.extract_strided_slice %dot_general3A_44 {offsets = [216, 0], sizes = [8, 3200], strides = [1, 1]} : vector<384x3200xf32> to vector<8x3200xf32>
    %mul3A_207 = vector.broadcast %slice3A_34 : vector<1x3200xf32> to vector<8x3200xf32>
    %mul3A_208 = arith.mulf %slice3A_206, %mul3A_207 : vector<8x3200xf32>
    %add3A_209 = arith.addf %add3A_205, %mul3A_208 : vector<8x3200xf32>
    %slice3A_210 = vector.extract_strided_slice %dot_general3A_44 {offsets = [224, 0], sizes = [8, 3200], strides = [1, 1]} : vector<384x3200xf32> to vector<8x3200xf32>
    %mul3A_211 = vector.broadcast %slice3A_35 : vector<1x3200xf32> to vector<8x3200xf32>
    %mul3A_212 = arith.mulf %slice3A_210, %mul3A_211 : vector<8x3200xf32>
    %add3A_213 = arith.addf %add3A_209, %mul3A_212 : vector<8x3200xf32>
    %get3A_214 = arith.constant 0 : index
    %get3A_215 = arith.constant 0 : index
    %get3A_216 = vector.load %arg8[%get3A_214, %get3A_215] : memref<8x8xf32, #tpu.memory_space<vmem>>, vector<8x8xf32>
    %mul3A_217 = arith.mulf %slice3A_51, %add3A_213 : vector<8x3200xf32>
    %dot_general3A_218 = arith.constant dense<0.000000e+00> : vector<8x3200xf32>
    %dot_general3A_219 = tpu.matmul %get3A_216, %mul3A_217, %dot_general3A_218 {dimension_numbers = #tpu.dot_dimension_numbers<[1], [0], [0], [1], [0, 0, 1, 1], [], []>, transpose_lhs_hint = false} : vector<8x8xf32>, vector<8x3200xf32>, vector<8x3200xf32> -> vector<8x3200xf32>
    %mul3A_220 = vector.broadcast %slice3A_35 : vector<1x3200xf32> to vector<8x3200xf32>
    %mul3A_221 = arith.mulf %dot_general3A_130, %mul3A_220 : vector<8x3200xf32>
    %add3A_222 = arith.addf %mul3A_221, %dot_general3A_199 : vector<8x3200xf32>
    %add3A_223 = arith.addf %add3A_222, %dot_general3A_219 : vector<8x3200xf32>
    %concatenate3A_224 = tpu.concatenate %add3A_161, %add3A_192, %add3A_223 in 0 : vector<8x3200xf32>, vector<8x3200xf32>, vector<8x3200xf32> -> vector<24x3200xf32>
    %get3A_225 = arith.constant 0 : index
    %get3A_226 = arith.constant 0 : index
    %get3A_227 = vector.load %arg9[%get3A_225, %get3A_226] : memref<4x8xf32, #tpu.memory_space<vmem>>, vector<4x8xf32>
    %slice3A_228 = vector.extract_strided_slice %dot_general3A_44 {offsets = [64, 0], sizes = [8, 3200], strides = [1, 1]} : vector<384x3200xf32> to vector<8x3200xf32>
    %mul3A_229 = arith.mulf %slice3A_228, %slice3A_49 : vector<8x3200xf32>
    %dot_general3A_230 = arith.constant dense<0.000000e+00> : vector<4x3200xf32>
    %dot_general3A_231 = tpu.matmul %get3A_227, %mul3A_229, %dot_general3A_230 {dimension_numbers = #tpu.dot_dimension_numbers<[1], [0], [0], [1], [0, 0, 1, 1], [], []>, transpose_lhs_hint = false} : vector<4x8xf32>, vector<8x3200xf32>, vector<4x3200xf32> -> vector<4x3200xf32>
    %slice3A_232 = vector.extract_strided_slice %dot_general3A_44 {offsets = [304, 0], sizes = [8, 3200], strides = [1, 1]} : vector<384x3200xf32> to vector<8x3200xf32>
    %mul3A_233 = vector.broadcast %slice3A_33 : vector<1x3200xf32> to vector<8x3200xf32>
    %mul3A_234 = arith.mulf %slice3A_232, %mul3A_233 : vector<8x3200xf32>
    %add3A_235 = arith.constant 0.000000e+00 : f32
    %add3A_236 = vector.broadcast %add3A_235 : f32 to vector<8x3200xf32>
    %add3A_237 = arith.addf %add3A_236, %mul3A_234 : vector<8x3200xf32>
    %slice3A_238 = vector.extract_strided_slice %dot_general3A_44 {offsets = [312, 0], sizes = [8, 3200], strides = [1, 1]} : vector<384x3200xf32> to vector<8x3200xf32>
    %mul3A_239 = vector.broadcast %slice3A_34 : vector<1x3200xf32> to vector<8x3200xf32>
    %mul3A_240 = arith.mulf %slice3A_238, %mul3A_239 : vector<8x3200xf32>
    %add3A_241 = arith.addf %add3A_237, %mul3A_240 : vector<8x3200xf32>
    %slice3A_242 = vector.extract_strided_slice %dot_general3A_44 {offsets = [320, 0], sizes = [8, 3200], strides = [1, 1]} : vector<384x3200xf32> to vector<8x3200xf32>
    %mul3A_243 = vector.broadcast %slice3A_35 : vector<1x3200xf32> to vector<8x3200xf32>
    %mul3A_244 = arith.mulf %slice3A_242, %mul3A_243 : vector<8x3200xf32>
    %add3A_245 = arith.addf %add3A_241, %mul3A_244 : vector<8x3200xf32>
    %get3A_246 = arith.constant 0 : index
    %get3A_247 = arith.constant 0 : index
    %get3A_248 = vector.load %arg11[%get3A_246, %get3A_247] : memref<4x8xf32, #tpu.memory_space<vmem>>, vector<4x8xf32>
    %mul3A_249 = arith.mulf %slice3A_53, %add3A_245 : vector<8x3200xf32>
    %dot_general3A_250 = arith.constant dense<0.000000e+00> : vector<4x3200xf32>
    %dot_general3A_251 = tpu.matmul %get3A_248, %mul3A_249, %dot_general3A_250 {dimension_numbers = #tpu.dot_dimension_numbers<[1], [0], [0], [1], [0, 0, 1, 1], [], []>, transpose_lhs_hint = false} : vector<4x8xf32>, vector<8x3200xf32>, vector<4x3200xf32> -> vector<4x3200xf32>
    %add3A_252 = arith.addf %dot_general3A_231, %dot_general3A_251 : vector<4x3200xf32>
    %get3A_253 = arith.constant 0 : index
    %get3A_254 = arith.constant 0 : index
    %get3A_255 = vector.load %arg9[%get3A_253, %get3A_254] : memref<4x8xf32, #tpu.memory_space<vmem>>, vector<4x8xf32>
    %slice3A_256 = vector.extract_strided_slice %dot_general3A_44 {offsets = [72, 0], sizes = [8, 3200], strides = [1, 1]} : vector<384x3200xf32> to vector<8x3200xf32>
    %mul3A_257 = arith.mulf %slice3A_256, %slice3A_49 : vector<8x3200xf32>
    %dot_general3A_258 = arith.constant dense<0.000000e+00> : vector<4x3200xf32>
    %dot_general3A_259 = tpu.matmul %get3A_255, %mul3A_257, %dot_general3A_258 {dimension_numbers = #tpu.dot_dimension_numbers<[1], [0], [0], [1], [0, 0, 1, 1], [], []>, transpose_lhs_hint = false} : vector<4x8xf32>, vector<8x3200xf32>, vector<4x3200xf32> -> vector<4x3200xf32>
    %slice3A_260 = vector.extract_strided_slice %dot_general3A_44 {offsets = [328, 0], sizes = [8, 3200], strides = [1, 1]} : vector<384x3200xf32> to vector<8x3200xf32>
    %mul3A_261 = vector.broadcast %slice3A_33 : vector<1x3200xf32> to vector<8x3200xf32>
    %mul3A_262 = arith.mulf %slice3A_260, %mul3A_261 : vector<8x3200xf32>
    %add3A_263 = arith.constant 0.000000e+00 : f32
    %add3A_264 = vector.broadcast %add3A_263 : f32 to vector<8x3200xf32>
    %add3A_265 = arith.addf %add3A_264, %mul3A_262 : vector<8x3200xf32>
    %slice3A_266 = vector.extract_strided_slice %dot_general3A_44 {offsets = [336, 0], sizes = [8, 3200], strides = [1, 1]} : vector<384x3200xf32> to vector<8x3200xf32>
    %mul3A_267 = vector.broadcast %slice3A_34 : vector<1x3200xf32> to vector<8x3200xf32>
    %mul3A_268 = arith.mulf %slice3A_266, %mul3A_267 : vector<8x3200xf32>
    %add3A_269 = arith.addf %add3A_265, %mul3A_268 : vector<8x3200xf32>
    %slice3A_270 = vector.extract_strided_slice %dot_general3A_44 {offsets = [344, 0], sizes = [8, 3200], strides = [1, 1]} : vector<384x3200xf32> to vector<8x3200xf32>
    %mul3A_271 = vector.broadcast %slice3A_35 : vector<1x3200xf32> to vector<8x3200xf32>
    %mul3A_272 = arith.mulf %slice3A_270, %mul3A_271 : vector<8x3200xf32>
    %add3A_273 = arith.addf %add3A_269, %mul3A_272 : vector<8x3200xf32>
    %get3A_274 = arith.constant 0 : index
    %get3A_275 = arith.constant 0 : index
    %get3A_276 = vector.load %arg11[%get3A_274, %get3A_275] : memref<4x8xf32, #tpu.memory_space<vmem>>, vector<4x8xf32>
    %mul3A_277 = arith.mulf %slice3A_53, %add3A_273 : vector<8x3200xf32>
    %dot_general3A_278 = arith.constant dense<0.000000e+00> : vector<4x3200xf32>
    %dot_general3A_279 = tpu.matmul %get3A_276, %mul3A_277, %dot_general3A_278 {dimension_numbers = #tpu.dot_dimension_numbers<[1], [0], [0], [1], [0, 0, 1, 1], [], []>, transpose_lhs_hint = false} : vector<4x8xf32>, vector<8x3200xf32>, vector<4x3200xf32> -> vector<4x3200xf32>
    %add3A_280 = arith.addf %dot_general3A_259, %dot_general3A_279 : vector<4x3200xf32>
    %get3A_281 = arith.constant 0 : index
    %get3A_282 = arith.constant 0 : index
    %get3A_283 = vector.load %arg9[%get3A_281, %get3A_282] : memref<4x8xf32, #tpu.memory_space<vmem>>, vector<4x8xf32>
    %slice3A_284 = vector.extract_strided_slice %dot_general3A_44 {offsets = [80, 0], sizes = [8, 3200], strides = [1, 1]} : vector<384x3200xf32> to vector<8x3200xf32>
    %mul3A_285 = arith.mulf %slice3A_284, %slice3A_49 : vector<8x3200xf32>
    %dot_general3A_286 = arith.constant dense<0.000000e+00> : vector<4x3200xf32>
    %dot_general3A_287 = tpu.matmul %get3A_283, %mul3A_285, %dot_general3A_286 {dimension_numbers = #tpu.dot_dimension_numbers<[1], [0], [0], [1], [0, 0, 1, 1], [], []>, transpose_lhs_hint = false} : vector<4x8xf32>, vector<8x3200xf32>, vector<4x3200xf32> -> vector<4x3200xf32>
    %slice3A_288 = vector.extract_strided_slice %dot_general3A_44 {offsets = [352, 0], sizes = [8, 3200], strides = [1, 1]} : vector<384x3200xf32> to vector<8x3200xf32>
    %mul3A_289 = vector.broadcast %slice3A_33 : vector<1x3200xf32> to vector<8x3200xf32>
    %mul3A_290 = arith.mulf %slice3A_288, %mul3A_289 : vector<8x3200xf32>
    %add3A_291 = arith.constant 0.000000e+00 : f32
    %add3A_292 = vector.broadcast %add3A_291 : f32 to vector<8x3200xf32>
    %add3A_293 = arith.addf %add3A_292, %mul3A_290 : vector<8x3200xf32>
    %slice3A_294 = vector.extract_strided_slice %dot_general3A_44 {offsets = [360, 0], sizes = [8, 3200], strides = [1, 1]} : vector<384x3200xf32> to vector<8x3200xf32>
    %mul3A_295 = vector.broadcast %slice3A_34 : vector<1x3200xf32> to vector<8x3200xf32>
    %mul3A_296 = arith.mulf %slice3A_294, %mul3A_295 : vector<8x3200xf32>
    %add3A_297 = arith.addf %add3A_293, %mul3A_296 : vector<8x3200xf32>
    %slice3A_298 = vector.extract_strided_slice %dot_general3A_44 {offsets = [368, 0], sizes = [8, 3200], strides = [1, 1]} : vector<384x3200xf32> to vector<8x3200xf32>
    %mul3A_299 = vector.broadcast %slice3A_35 : vector<1x3200xf32> to vector<8x3200xf32>
    %mul3A_300 = arith.mulf %slice3A_298, %mul3A_299 : vector<8x3200xf32>
    %add3A_301 = arith.addf %add3A_297, %mul3A_300 : vector<8x3200xf32>
    %get3A_302 = arith.constant 0 : index
    %get3A_303 = arith.constant 0 : index
    %get3A_304 = vector.load %arg11[%get3A_302, %get3A_303] : memref<4x8xf32, #tpu.memory_space<vmem>>, vector<4x8xf32>
    %mul3A_305 = arith.mulf %slice3A_53, %add3A_301 : vector<8x3200xf32>
    %dot_general3A_306 = arith.constant dense<0.000000e+00> : vector<4x3200xf32>
    %dot_general3A_307 = tpu.matmul %get3A_304, %mul3A_305, %dot_general3A_306 {dimension_numbers = #tpu.dot_dimension_numbers<[1], [0], [0], [1], [0, 0, 1, 1], [], []>, transpose_lhs_hint = false} : vector<4x8xf32>, vector<8x3200xf32>, vector<4x3200xf32> -> vector<4x3200xf32>
    %add3A_308 = arith.addf %dot_general3A_287, %dot_general3A_307 : vector<4x3200xf32>
    %get3A_309 = arith.constant 0 : index
    %get3A_310 = arith.constant 0 : index
    %get3A_311 = vector.load %arg10[%get3A_309, %get3A_310] : memref<4x8xf32, #tpu.memory_space<vmem>>, vector<4x8xf32>
    %slice3A_312 = vector.extract_strided_slice %dot_general3A_44 {offsets = [232, 0], sizes = [8, 3200], strides = [1, 1]} : vector<384x3200xf32> to vector<8x3200xf32>
    %mul3A_313 = arith.mulf %slice3A_312, %slice3A_52 : vector<8x3200xf32>
    %dot_general3A_314 = arith.constant dense<0.000000e+00> : vector<4x3200xf32>
    %dot_general3A_315 = tpu.matmul %get3A_311, %mul3A_313, %dot_general3A_314 {dimension_numbers = #tpu.dot_dimension_numbers<[1], [0], [0], [1], [0, 0, 1, 1], [], []>, transpose_lhs_hint = false} : vector<4x8xf32>, vector<8x3200xf32>, vector<4x3200xf32> -> vector<4x3200xf32>
    %mul3A_316 = vector.broadcast %slice3A_33 : vector<1x3200xf32> to vector<4x3200xf32>
    %mul3A_317 = arith.mulf %add3A_252, %mul3A_316 : vector<4x3200xf32>
    %add3A_318 = arith.addf %dot_general3A_315, %mul3A_317 : vector<4x3200xf32>
    %get3A_319 = arith.constant 0 : index
    %get3A_320 = arith.constant 0 : index
    %get3A_321 = vector.load %arg10[%get3A_319, %get3A_320] : memref<4x8xf32, #tpu.memory_space<vmem>>, vector<4x8xf32>
    %slice3A_322 = vector.extract_strided_slice %dot_general3A_44 {offsets = [240, 0], sizes = [8, 3200], strides = [1, 1]} : vector<384x3200xf32> to vector<8x3200xf32>
    %mul3A_323 = arith.mulf %slice3A_322, %slice3A_52 : vector<8x3200xf32>
    %dot_general3A_324 = arith.constant dense<0.000000e+00> : vector<4x3200xf32>
    %dot_general3A_325 = tpu.matmul %get3A_321, %mul3A_323, %dot_general3A_324 {dimension_numbers = #tpu.dot_dimension_numbers<[1], [0], [0], [1], [0, 0, 1, 1], [], []>, transpose_lhs_hint = false} : vector<4x8xf32>, vector<8x3200xf32>, vector<4x3200xf32> -> vector<4x3200xf32>
    %mul3A_326 = vector.broadcast %slice3A_34 : vector<1x3200xf32> to vector<4x3200xf32>
    %mul3A_327 = arith.mulf %add3A_252, %mul3A_326 : vector<4x3200xf32>
    %add3A_328 = arith.addf %dot_general3A_325, %mul3A_327 : vector<4x3200xf32>
    %get3A_329 = arith.constant 0 : index
    %get3A_330 = arith.constant 0 : index
    %get3A_331 = vector.load %arg10[%get3A_329, %get3A_330] : memref<4x8xf32, #tpu.memory_space<vmem>>, vector<4x8xf32>
    %slice3A_332 = vector.extract_strided_slice %dot_general3A_44 {offsets = [248, 0], sizes = [8, 3200], strides = [1, 1]} : vector<384x3200xf32> to vector<8x3200xf32>
    %mul3A_333 = arith.mulf %slice3A_332, %slice3A_52 : vector<8x3200xf32>
    %dot_general3A_334 = arith.constant dense<0.000000e+00> : vector<4x3200xf32>
    %dot_general3A_335 = tpu.matmul %get3A_331, %mul3A_333, %dot_general3A_334 {dimension_numbers = #tpu.dot_dimension_numbers<[1], [0], [0], [1], [0, 0, 1, 1], [], []>, transpose_lhs_hint = false} : vector<4x8xf32>, vector<8x3200xf32>, vector<4x3200xf32> -> vector<4x3200xf32>
    %mul3A_336 = vector.broadcast %slice3A_35 : vector<1x3200xf32> to vector<4x3200xf32>
    %mul3A_337 = arith.mulf %add3A_252, %mul3A_336 : vector<4x3200xf32>
    %add3A_338 = arith.addf %dot_general3A_335, %mul3A_337 : vector<4x3200xf32>
    %get3A_339 = arith.constant 0 : index
    %get3A_340 = arith.constant 0 : index
    %get3A_341 = vector.load %arg10[%get3A_339, %get3A_340] : memref<4x8xf32, #tpu.memory_space<vmem>>, vector<4x8xf32>
    %slice3A_342 = vector.extract_strided_slice %dot_general3A_44 {offsets = [256, 0], sizes = [8, 3200], strides = [1, 1]} : vector<384x3200xf32> to vector<8x3200xf32>
    %mul3A_343 = arith.mulf %slice3A_342, %slice3A_52 : vector<8x3200xf32>
    %dot_general3A_344 = arith.constant dense<0.000000e+00> : vector<4x3200xf32>
    %dot_general3A_345 = tpu.matmul %get3A_341, %mul3A_343, %dot_general3A_344 {dimension_numbers = #tpu.dot_dimension_numbers<[1], [0], [0], [1], [0, 0, 1, 1], [], []>, transpose_lhs_hint = false} : vector<4x8xf32>, vector<8x3200xf32>, vector<4x3200xf32> -> vector<4x3200xf32>
    %mul3A_346 = vector.broadcast %slice3A_33 : vector<1x3200xf32> to vector<4x3200xf32>
    %mul3A_347 = arith.mulf %add3A_280, %mul3A_346 : vector<4x3200xf32>
    %add3A_348 = arith.addf %dot_general3A_345, %mul3A_347 : vector<4x3200xf32>
    %get3A_349 = arith.constant 0 : index
    %get3A_350 = arith.constant 0 : index
    %get3A_351 = vector.load %arg10[%get3A_349, %get3A_350] : memref<4x8xf32, #tpu.memory_space<vmem>>, vector<4x8xf32>
    %slice3A_352 = vector.extract_strided_slice %dot_general3A_44 {offsets = [264, 0], sizes = [8, 3200], strides = [1, 1]} : vector<384x3200xf32> to vector<8x3200xf32>
    %mul3A_353 = arith.mulf %slice3A_352, %slice3A_52 : vector<8x3200xf32>
    %dot_general3A_354 = arith.constant dense<0.000000e+00> : vector<4x3200xf32>
    %dot_general3A_355 = tpu.matmul %get3A_351, %mul3A_353, %dot_general3A_354 {dimension_numbers = #tpu.dot_dimension_numbers<[1], [0], [0], [1], [0, 0, 1, 1], [], []>, transpose_lhs_hint = false} : vector<4x8xf32>, vector<8x3200xf32>, vector<4x3200xf32> -> vector<4x3200xf32>
    %mul3A_356 = vector.broadcast %slice3A_34 : vector<1x3200xf32> to vector<4x3200xf32>
    %mul3A_357 = arith.mulf %add3A_280, %mul3A_356 : vector<4x3200xf32>
    %add3A_358 = arith.addf %dot_general3A_355, %mul3A_357 : vector<4x3200xf32>
    %get3A_359 = arith.constant 0 : index
    %get3A_360 = arith.constant 0 : index
    %get3A_361 = vector.load %arg10[%get3A_359, %get3A_360] : memref<4x8xf32, #tpu.memory_space<vmem>>, vector<4x8xf32>
    %slice3A_362 = vector.extract_strided_slice %dot_general3A_44 {offsets = [272, 0], sizes = [8, 3200], strides = [1, 1]} : vector<384x3200xf32> to vector<8x3200xf32>
    %mul3A_363 = arith.mulf %slice3A_362, %slice3A_52 : vector<8x3200xf32>
    %dot_general3A_364 = arith.constant dense<0.000000e+00> : vector<4x3200xf32>
    %dot_general3A_365 = tpu.matmul %get3A_361, %mul3A_363, %dot_general3A_364 {dimension_numbers = #tpu.dot_dimension_numbers<[1], [0], [0], [1], [0, 0, 1, 1], [], []>, transpose_lhs_hint = false} : vector<4x8xf32>, vector<8x3200xf32>, vector<4x3200xf32> -> vector<4x3200xf32>
    %mul3A_366 = vector.broadcast %slice3A_35 : vector<1x3200xf32> to vector<4x3200xf32>
    %mul3A_367 = arith.mulf %add3A_280, %mul3A_366 : vector<4x3200xf32>
    %add3A_368 = arith.addf %dot_general3A_365, %mul3A_367 : vector<4x3200xf32>
    %get3A_369 = arith.constant 0 : index
    %get3A_370 = arith.constant 0 : index
    %get3A_371 = vector.load %arg10[%get3A_369, %get3A_370] : memref<4x8xf32, #tpu.memory_space<vmem>>, vector<4x8xf32>
    %slice3A_372 = vector.extract_strided_slice %dot_general3A_44 {offsets = [280, 0], sizes = [8, 3200], strides = [1, 1]} : vector<384x3200xf32> to vector<8x3200xf32>
    %mul3A_373 = arith.mulf %slice3A_372, %slice3A_52 : vector<8x3200xf32>
    %dot_general3A_374 = arith.constant dense<0.000000e+00> : vector<4x3200xf32>
    %dot_general3A_375 = tpu.matmul %get3A_371, %mul3A_373, %dot_general3A_374 {dimension_numbers = #tpu.dot_dimension_numbers<[1], [0], [0], [1], [0, 0, 1, 1], [], []>, transpose_lhs_hint = false} : vector<4x8xf32>, vector<8x3200xf32>, vector<4x3200xf32> -> vector<4x3200xf32>
    %mul3A_376 = vector.broadcast %slice3A_33 : vector<1x3200xf32> to vector<4x3200xf32>
    %mul3A_377 = arith.mulf %add3A_308, %mul3A_376 : vector<4x3200xf32>
    %add3A_378 = arith.addf %dot_general3A_375, %mul3A_377 : vector<4x3200xf32>
    %get3A_379 = arith.constant 0 : index
    %get3A_380 = arith.constant 0 : index
    %get3A_381 = vector.load %arg10[%get3A_379, %get3A_380] : memref<4x8xf32, #tpu.memory_space<vmem>>, vector<4x8xf32>
    %slice3A_382 = vector.extract_strided_slice %dot_general3A_44 {offsets = [288, 0], sizes = [8, 3200], strides = [1, 1]} : vector<384x3200xf32> to vector<8x3200xf32>
    %mul3A_383 = arith.mulf %slice3A_382, %slice3A_52 : vector<8x3200xf32>
    %dot_general3A_384 = arith.constant dense<0.000000e+00> : vector<4x3200xf32>
    %dot_general3A_385 = tpu.matmul %get3A_381, %mul3A_383, %dot_general3A_384 {dimension_numbers = #tpu.dot_dimension_numbers<[1], [0], [0], [1], [0, 0, 1, 1], [], []>, transpose_lhs_hint = false} : vector<4x8xf32>, vector<8x3200xf32>, vector<4x3200xf32> -> vector<4x3200xf32>
    %mul3A_386 = vector.broadcast %slice3A_34 : vector<1x3200xf32> to vector<4x3200xf32>
    %mul3A_387 = arith.mulf %add3A_308, %mul3A_386 : vector<4x3200xf32>
    %add3A_388 = arith.addf %dot_general3A_385, %mul3A_387 : vector<4x3200xf32>
    %get3A_389 = arith.constant 0 : index
    %get3A_390 = arith.constant 0 : index
    %get3A_391 = vector.load %arg10[%get3A_389, %get3A_390] : memref<4x8xf32, #tpu.memory_space<vmem>>, vector<4x8xf32>
    %slice3A_392 = vector.extract_strided_slice %dot_general3A_44 {offsets = [296, 0], sizes = [8, 3200], strides = [1, 1]} : vector<384x3200xf32> to vector<8x3200xf32>
    %mul3A_393 = arith.mulf %slice3A_392, %slice3A_52 : vector<8x3200xf32>
    %dot_general3A_394 = arith.constant dense<0.000000e+00> : vector<4x3200xf32>
    %dot_general3A_395 = tpu.matmul %get3A_391, %mul3A_393, %dot_general3A_394 {dimension_numbers = #tpu.dot_dimension_numbers<[1], [0], [0], [1], [0, 0, 1, 1], [], []>, transpose_lhs_hint = false} : vector<4x8xf32>, vector<8x3200xf32>, vector<4x3200xf32> -> vector<4x3200xf32>
    %mul3A_396 = vector.broadcast %slice3A_35 : vector<1x3200xf32> to vector<4x3200xf32>
    %mul3A_397 = arith.mulf %add3A_308, %mul3A_396 : vector<4x3200xf32>
    %add3A_398 = arith.addf %dot_general3A_395, %mul3A_397 : vector<4x3200xf32>
    %concatenate3A_399 = tpu.concatenate %add3A_318, %add3A_328, %add3A_338, %add3A_348, %add3A_358, %add3A_368, %add3A_378, %add3A_388, %add3A_398 in 0 : vector<4x3200xf32>, vector<4x3200xf32>, vector<4x3200xf32>, vector<4x3200xf32>, vector<4x3200xf32>, vector<4x3200xf32>, vector<4x3200xf32>, vector<4x3200xf32>, vector<4x3200xf32> -> vector<36x3200xf32>
    %broadcast_in_dim3A_400 = arith.constant 0.000000e+00 : f32
    %broadcast_in_dim3A_401 = vector.broadcast %broadcast_in_dim3A_400 : f32 to vector<4x3200xf32>
    %concatenate3A_402 = tpu.concatenate %dot_general3A_123, %concatenate3A_224, %concatenate3A_399, %broadcast_in_dim3A_401 in 0 : vector<16x3200xf32>, vector<24x3200xf32>, vector<36x3200xf32>, vector<4x3200xf32> -> vector<80x3200xf32>
    %iota3A_403 = tpu.iota {dimensions = array<i32: 0>} : vector<80x80xi32>
    %iota3A_404 = tpu.iota {dimensions = array<i32: 1>} : vector<80x80xi32>
    %add3A_405 = arith.constant 0 : i32
    %add3A_406 = vector.broadcast %add3A_405 : i32 to vector<80x80xi32>
    %add3A_407 = arith.addi %iota3A_403, %add3A_406 : vector<80x80xi32>
    %eq3A = arith.cmpi eq, %add3A_407, %iota3A_404 : vector<80x80xi32>
    %convert_element_type3A_408 = arith.extui %eq3A : vector<80x80xi1> to vector<80x80xi32>
    %convert_element_type3A_409 = arith.sitofp %convert_element_type3A_408 : vector<80x80xi32> to vector<80x80xf32>
    %dot_general3A_410 = arith.constant dense<0.000000e+00> : vector<3200x80xf32>
    %dot_general3A_411 = tpu.matmul %concatenate3A_402, %convert_element_type3A_409, %dot_general3A_410 {dimension_numbers = #tpu.dot_dimension_numbers<[0], [0], [1], [1], [0, 1, 1, 1], [], []>, transpose_lhs_hint = false} : vector<80x3200xf32>, vector<80x80xf32>, vector<3200x80xf32> -> vector<3200x80xf32>
    %swap3A = arith.constant 0 : index
    %swap3A_412 = arith.constant 0 : index
    %swap3A_413 = vector.load %arg12[%swap3A, %swap3A_412] : memref<3200x80xf32, #tpu.memory_space<vmem>>, vector<3200x80xf32>
    tpu.vector_store %arg12[%swap3A, %swap3A_412], %dot_general3A_411 {strides = array<i32>} : memref<3200x80xf32, #tpu.memory_space<vmem>>, vector<3200x80xf32>,
    return
  }
  func.func @transform_0(%arg0: i32) -> (i32, i32) {
    %c0_i32 = arith.constant 0 : i32
    %c0_i32_0 = arith.constant 0 : i32
    return %arg0, %c0_i32 : i32, i32
  }
  func.func @transform_1(%arg0: i32) -> (i32, i32) {
    %c0_i32 = arith.constant 0 : i32
    %c0_i32_0 = arith.constant 0 : i32
    return %c0_i32, %arg0 : i32, i32
  }
  func.func @transform_2(%arg0: i32) -> (i32, i32) {
    %c0_i32 = arith.constant 0 : i32
    %c0_i32_0 = arith.constant 0 : i32
    %c0_i32_1 = arith.constant 0 : i32
    return %c0_i32, %c0_i32_0 : i32, i32
  }
  func.func @transform_3(%arg0: i32) -> (i32, i32) {
    %c0_i32 = arith.constant 0 : i32
    %c0_i32_0 = arith.constant 0 : i32
    %c0_i32_1 = arith.constant 0 : i32
    return %c0_i32, %c0_i32_0 : i32, i32
  }
  func.func @transform_4(%arg0: i32) -> (i32, i32) {
    %c0_i32 = arith.constant 0 : i32
    %c0_i32_0 = arith.constant 0 : i32
    %c0_i32_1 = arith.constant 0 : i32
    return %c0_i32, %c0_i32_0 : i32, i32
  }
  func.func @transform_5(%arg0: i32) -> (i32, i32) {
    %c0_i32 = arith.constant 0 : i32
    %c0_i32_0 = arith.constant 0 : i32
    %c0_i32_1 = arith.constant 0 : i32
    return %c0_i32, %c0_i32_0 : i32, i32
  }
  func.func @transform_6(%arg0: i32) -> (i32, i32) {
    %c0_i32 = arith.constant 0 : i32
    %c0_i32_0 = arith.constant 0 : i32
    %c0_i32_1 = arith.constant 0 : i32
    return %c0_i32, %c0_i32_0 : i32, i32
  }
  func.func @transform_7(%arg0: i32) -> (i32, i32) {
    %c0_i32 = arith.constant 0 : i32
    %c0_i32_0 = arith.constant 0 : i32
    %c0_i32_1 = arith.constant 0 : i32
    return %c0_i32, %c0_i32_0 : i32, i32
  }
  func.func @transform_8(%arg0: i32) -> (i32, i32) {
    %c0_i32 = arith.constant 0 : i32
    %c0_i32_0 = arith.constant 0 : i32
    %c0_i32_1 = arith.constant 0 : i32
    return %c0_i32, %c0_i32_0 : i32, i32
  }
  func.func @transform_9(%arg0: i32) -> (i32, i32) {
    %c0_i32 = arith.constant 0 : i32
    %c0_i32_0 = arith.constant 0 : i32
    %c0_i32_1 = arith.constant 0 : i32
    return %c0_i32, %c0_i32_0 : i32, i32
  }
  func.func @transform_10(%arg0: i32) -> (i32, i32) {
    %c0_i32 = arith.constant 0 : i32
    %c0_i32_0 = arith.constant 0 : i32
    %c0_i32_1 = arith.constant 0 : i32
    return %c0_i32, %c0_i32_0 : i32, i32
  }
  func.func @transform_11(%arg0: i32) -> (i32, i32) {
    %c0_i32 = arith.constant 0 : i32
    %c0_i32_0 = arith.constant 0 : i32
    return %arg0, %c0_i32 : i32, i32
  }
}

</mosaic_0001>

<sc_bundles>
// kernel: kernel.5.cloned.1.call-start
scs
__scs_entry_jumppad:
0x0: {  	(pc) =	sbr.rel $0x88, $3  }
0x1: {  	(tag) =	ssettag $0x0;
	lr =	simm.s32 $0x1  }
0x2: {  	[smem:$0x3F81] =	sst lr;
	_ =	strace $0xD0000000  }
0x3: {  	_ = 	snop  }
0x4: {  	_ = 	snop  }
0x5: {  	_ = 	snop  }
0x6: {  	_ = 	snop  }
0x7: {  	_ = 	snop  }
__scs_overlays_trampoline_lowered:
0x8: {  	[smem:$0x3F90] =	sst s0  }
0x9: {  	[smem:$0x3F91] =	sst s1  }
0xa: {  	[smem:$0x3F92] =	sst s2  }
0xb: {  	[smem:$0x3F93] =	sst s3  }
0xc: {  	[smem:$0x3F94] =	sst s4  }
0xd: {  	[smem:$0x3F95] =	sst s5  }
0xe: {  	[smem:$0x3F96] =	sst s6  }
0xf: {  	[smem:$0x3F97] =	sst s7  }
0x10: {  	[smem:$0x3F98] =	sst s8  }
0x11: {  	[smem:$0x3F99] =	sst s9;
	s0 =	simm.s32 @!p0 $0x0  }
0x12: {  	s1 =	sld [smem:$0x3F7F];
	s0 =	simm.s32 @p0 $0x1  }
0x13: {  	[smem:$0x3F9A] =	sst s0;
	s0 =	simm.s32 @!p1 $0x0  }
0x14: {  	s2 =	sld [smem:$0x3F7E];
	s0 =	simm.s32 @p1 $0x1  }
0x15: {  	[smem:$0x3F9B] =	sst s0;
	s0 =	simm.s32 @!p2 $0x0  }
0x16: {  	s3 =	sld [smem:$0x3FDB];
	s0 =	simm.s32 @p2 $0x1  }
0x17: {  	s4 =	simm.s32 $0x1BF5;
	[smem:$0x3F9D] =	sst s0  }
0x18: {  	s0 =	sld [smem:$0x3F80];
	_ =	swait.ge [sflag:s4], $0x0  }
0x19: {  	s7 =	sld [smem:$0x3F81]  }
0x1a: {  	s8 =	sadd.s32 $0xFFFFE003, lr  }
0x1b: {  	s9 =	sadd.s32 $0xFFFFFEF7, lr;
	s5 =	simm.s32 $0xFFFFFFFF;
	p2 =	slt.u32 s8, $0xFFFFF086  }
0x1c: {  	p1 =	slt.u32 s9, $0xF7A;
	s5 =	simm.s32 @!p2 $0x0  }
0x1d: {  	s5 =	simm.s32 @p1 $0x1;
	p0 =	seq.s32 s7, s2  }
0x1e: {  	s7 =	smul.u32 @!p0 $0xF7A, s2;
	p2 =	seq.s32 @!p0 s5, $0x0  }
0x1f: {  	s9 =	smul.u32 $0xF7A, s1;
	s8 =	simm.s32 @!p0 $0x1BF5;
	p2 =	por !p2, p0  }
0x20: {  	[sflag:s8] =	ssyncset.s32 @!p0 $0xFFFFF086;
	s6 =	sadd.s32 @!p0 s3, s7;
	s7 =	simm.s32 @!p0 $0x108  }
0x21: {  	s3 =	sadd.s32 s3, s9;
	s6 =	sadd.s32 @!p0 $0x88, s6;
	s7 =	simm.s32 @p2 $0x1082  }
0x22: {  	[simem:s7], [sflag:s8] =	dma.local @!p0 [hbm:s6], $0xF7A  }
0x23: {  	s9 =	sor.u32 $0xD0000000, s2;
	s6 =	simm.s32 $0x108;
	_ =	swait.ge @!p0 [sflag:s8], $0x0  }
0x24: {  	s3 =	sadd.s32 $0x88, s3;
	s6 =	simm.s32 @!p1 $0x1082;
	[sflag:s4] =	ssyncset.s32 $0xFFFFF086  }
0x25: {  	[simem:s6], [sflag:s4] =	dma.local [hbm:s3], $0xF7A  }
0x26: {  	[smem:$0x3F81] =	sst s1;
	(tag) =	ssettag s2;
	_ =	strace s9  }
0x27: {  	s1 =	sld [smem:$0x3F91]  }
0x28: {  	s2 =	sld [smem:$0x3F92]  }
0x29: {  	s4 =	sld [smem:$0x3F94]  }
0x2a: {  	p0 =	seq.s32 s5, $0x0;
	s5 =	sld [smem:$0x3F95]  }
0x2b: {  	s6 =	sld [smem:$0x3F96]  }
0x2c: {  	s7 =	sld [smem:$0x3F97]  }
0x2d: {  	s3 =	simm.s32 $0x108;
	s8 =	sld [smem:$0x3F98]  }
0x2e: {  	s3 =	simm.s32 @!p0 $0x1082;
	s9 =	sld [smem:$0x3F99]  }
0x2f: {  	lr =	sadd.s32 s0, s3;
	s0 =	sld [smem:$0x3F90]  }
0x30: {  	s3 =	sld [smem:$0x3F93]  }
0x31: {  	[smem:$0x3F9C] =	sst s10  }
0x32: {  	s10 =	sld [smem:$0x3F9A];
	_ =	sdelay $0x3  }
0x33: {  	p0 =	seq.s32 s10, $0x1;
	s10 =	sld [smem:$0x3F9C];
	_ =	sdelay $0x3  }
0x34: {  	[smem:$0x3F9C] =	sst s10  }
0x35: {  	s10 =	sld [smem:$0x3F9B];
	_ =	sdelay $0x3  }
0x36: {  	p1 =	seq.s32 s10, $0x1;
	s10 =	sld [smem:$0x3F9C];
	_ =	sdelay $0x3  }
0x37: {  	[smem:$0x3F9C] =	sst s10  }
0x38: {  	s10 =	sld [smem:$0x3F9D]  }
0x39: {  	_ = 	snop;
	(pc) =	sbr.ind lr, $3  }
0x3a: {  	_ = 	snop  }
0x3b: {  	_ = 	snop  }
0x3c: {  	p2 =	seq.s32 s10, $0x1;
	s10 =	sld [smem:$0x3F9C]  }
0x3d: {  	_ =	shalt  }
0x3e: {  	_ =	shalt  }
0x3f: {  	_ =	shalt  }
0x40: {  	_ =	shalt  }
0x41: {  	_ =	shalt  }
0x42: {  	_ =	shalt  }
0x43: {  	_ =	shalt  }
0x44: {  	_ =	shalt  }
0x45: {  	_ =	shalt  }
0x46: {  	_ =	shalt  }
0x47: {  	_ =	shalt  }
0x48: {  	_ =	shalt  }
0x49: {  	_ =	shalt  }
0x4a: {  	_ =	shalt  }
0x4b: {  	_ =	shalt  }
0x4c: {  	_ =	shalt  }
0x4d: {  	_ =	shalt  }
0x4e: {  	_ =	shalt  }
0x4f: {  	_ =	shalt  }
0x50: {  	_ =	shalt  }
0x51: {  	_ =	shalt  }
0x52: {  	_ =	shalt  }
0x53: {  	_ =	shalt  }
0x54: {  	_ =	shalt  }
0x55: {  	_ =	shalt  }
0x56: {  	_ =	shalt  }
0x57: {  	_ =	shalt  }
0x58: {  	_ =	shalt  }
0x59: {  	_ =	shalt  }
0x5a: {  	_ =	shalt  }
0x5b: {  	_ =	shalt  }
0x5c: {  	_ =	shalt  }
0x5d: {  	_ =	shalt  }
0x5e: {  	_ =	shalt  }
0x5f: {  	_ =	shalt  }
0x60: {  	_ =	shalt  }
0x61: {  	_ =	shalt  }
0x62: {  	_ =	shalt  }
0x63: {  	_ =	shalt  }
0x64: {  	_ =	shalt  }
0x65: {  	_ =	shalt  }
0x66: {  	_ =	shalt  }
0x67: {  	_ =	shalt  }
0x68: {  	_ =	shalt  }
0x69: {  	_ =	shalt  }
0x6a: {  	_ =	shalt  }
0x6b: {  	_ =	shalt  }
0x6c: {  	_ =	shalt  }
0x6d: {  	_ =	shalt  }
0x6e: {  	_ =	shalt  }
0x6f: {  	_ =	shalt  }
0x70: {  	_ =	shalt  }
0x71: {  	_ =	shalt  }
0x72: {  	_ =	shalt  }
0x73: {  	_ =	shalt  }
0x74: {  	_ =	shalt  }
0x75: {  	_ =	shalt  }
0x76: {  	_ =	shalt  }
0x77: {  	_ =	shalt  }
0x78: {  	_ =	shalt  }
0x79: {  	_ =	shalt  }
0x7a: {  	_ =	shalt  }
0x7b: {  	_ =	shalt  }
0x7c: {  	_ =	shalt  }
0x7d: {  	_ =	shalt  }
0x7e: {  	_ =	shalt  }
0x7f: {  	_ =	shalt  }
0x80: {  	_ =	shalt  }
0x81: {  	_ =	shalt  }
0x82: {  	_ =	shalt  }
0x83: {  	_ =	shalt  }
0x84: {  	_ =	shalt  }
0x85: {  	_ =	shalt  }
0x86: {  	_ =	shalt  }
0x87: {  	_ =	shalt  }
.Lfunc_end0:
.L_simem_size_0:
called_computation_lowered:
.L_overlay_start_0:
0x88: {  	s2 =	sld [smem:$0x3FD9]  }
0x89: {  	s3 =	sld [smem:$0x3FFE];
	_ =	sdelay $0x1  }
0x8a: {  	s1 =	srdreg.scid  }
0x8b: {  	s0 =	sand.u32 $0x1, s1  }
0x8c: {  	s14 =	sshll.u32 s0, $0xA;
	s2 =	sadd.s32 s3, s2  }
0x8d: {  	s2 =	sadd.s32 s2, s14  }
0x8e: {  	[smem:$0x3FA8] =	sst s2  }
0x8f: {  	_ = 	snop  }
0x90: {  	s2 =	sld [smem:$0x3FD0];
	_ =	sdelay $0x2  }
0x91: {  	s15 =	simm.s32 $0xA;
	s4 =	simm.s32 $0x10  }
0x92: {  	[smem:s4], [sflag:s15] =	dma.local [hbm:s2], $0x1  }
0x93: {  	_ =	swait.eq [sflag:s15], $0x1  }
0x94: {  	[sflag:s15] =	ssyncset.done $0x0  }
0x95: {  	[sflag:s15] =	ssyncadd.s32 $0xFFFFFFFF  }
0x96: {  	s16 =	sld [smem:$0x11];
	(tm) =	ssettm $0x1  }
0x97: {  	s17 =	sld [smem:$0x3FFB];
	_ =	sdelay $0x3  }
0x98: {  	_ =	strace s17  }
0x99: {  	s3 =	sld [smem:$0x3FFC];
	_ =	sdelay $0x3  }
0x9a: {  	_ =	strace s3  }
0x9b: {  	s3 =	sld [smem:$0x3FFD];
	_ =	sdelay $0x3  }
0x9c: {  	_ =	strace s3  }
0x9d: {  	_ =	strace $0x8FFFFFFF  }
0x9e: {  	s18 =	sld [smem:$0x3FDB];
	_ =	sdelay $0x1  }
0x9f: {  	s19 =	simm.s32 $_scs_section_size  }
0xa0: {  	s5 =	simm.s32 $_size__tile_overlayer_lowered;
	s6 =	simm.s32 $_tile_overlayer_lowered  }
0xa1: {  	s22 =	simm.s32 $0x1BFF;
	s21 =	sshll.u32 s6, $0x1;
	s3 =	sadd.s32 s19, s18  }
0xa2: {  	s7 =	simm.s32 $0x0;
	s20 =	sshll.u32 s5, $0x1;
	s5 =	sadd.s32 s21, s3  }
0xa3: {  	[timem:s7], [sflag:s22] =	dma.local [hbm:s5], s20  }
0xa4: {  	_ =	swait.ge [sflag:s22], s20  }
0xa5: {  	s4 =	ssub.s32 $0x0, s20;
	[sflag:s22] =	ssyncset.done $0x0  }
0xa6: {  	[sflag:s22] =	ssyncadd.s32 s4;
	_ =	sdelay $0x1  }
0xa7: {  	s23 =	simm.s32 $0x1B8B  }
0xa8: {  	_ =	swait.ge [sflag:s23], $0x1  }
0xa9: {  	[sflag:s23] =	ssyncset.done $0x0  }
0xaa: {  	s25 =	simm.s32 $0x1B8E;
	s24 =	sld [smem:$0x3FFE];
	[sflag:s23] =	ssyncadd.s32 $0xFFFFFFFF  }
0xab: {  	s26 =	simm.s32 $execute0_lowered;
	[smem:$0x3FD2] =	sst s25  }
0xac: {  	s5 =	sshll.u32 s26, $0x1;
	_ =	strace $0x80000046;
	[dreg:$0x1] =	wrdreg $0xFFFFFFFF  }
0xad: {  	s28 =	simm.s32 $_size_execute0_lowered;
	s3 =	sadd.s32 s3, s5;
	[dreg:$0x0] =	wrdreg $0x0  }
0xae: {  	s5 =	sshll.u32 s28, $0x1;
	[dreg:$0x2] =	wrdreg s3  }
0xaf: {  	[dreg:$0x3] =	wrdreg s5  }
0xb0: {  	[dreg:$0x4] =	wrdreg $0xC0  }
0xb1: {  	_ =	task [dreg:s7], $0x5FFFF  }
0xb2: {  	[dreg:$0x1] =	wrdreg $0xFFFFFFFF  }
0xb3: {  	[dreg:$0x0] =	wrdreg $0x60  }
0xb4: {  	[dreg:$0x2] =	wrdreg s24  }
0xb5: {  	[dreg:$0x3] =	wrdreg s16  }
0xb6: {  	[dreg:$0x4] =	wrdreg $0x9  }
0xb7: {  	_ =	task.clear_ibuf [dreg:s7], $0x5FFFF;
	_ =	strace $0x90000046  }
0xb8: {  	s29 =	simm.s32 $0x9;
	_ =	strace $0x80000048  }
0xb9: {  	_ =	swait.ge [sflag:s29], $0x1  }
0xba: {  	[sflag:s29] =	ssyncadd.s32 $0xFFFFFFFF  }
0xbb: {  	_ =	strace $0x90000048  }
0xbc: {  	_ =	sfence  }
0xbd: {  	s30 =	sld [smem:$0x0];
	_ =	sdelay $0x2  }
0xbe: {  	s31 =	sshll.u32 s1, $0xD;
	s1 =	sshrl.u32 s1, $0x2  }
0xbf: {  	s3 =	sand.u32 $0x4000, s31;
	s1 =	sadd.s32 s1, s30  }
0xc0: {  	s0 =	sor.u32 s3, s0;
	s1 =	sshll.u32 s1, $0x11  }
0xc1: {  	s0 =	sor.u32 s1, s0  }
0xc2: {  	s0 =	sadd.s32 $0x8F2B, s0  }
0xc3: {  	[sflag:s0] =	ssyncadd.remote.s32 $0x1  }
0xc4: {  	_ =	sfence.sel $0xFFFF  }
0xc5: {  	[dreg:$0x0] =	wrdreg $0xFFFFFFFF;
	(pc) =	sbr.abs _section_cstart, $3  }
0xc6: {  	[dreg:$0x1] =	wrdreg $0xFFFFFFFF  }
0xc7: {  	_ =	task.clear_ibuf [dreg:s7], $0x2FFFF;
	_ =	strace $0x9FFFFFFF  }
0xc8: {  	(tm) =	ssettm $0x7FFFFFFF  }
0xc9: {  	_ =	shalt  }
tec
execute0_lowered:
.L_overlay_start_1:
0x0: {  	(tag) =	ssettag $0x1  }
0x1: {  	s3 =	rddreg [dreg:$0x0]  }
0x2: {  	s6 =	rddreg [dreg:$0x1]  }
0x3: {  	s0 =	rddreg [dreg:$0x2];
	s1 =	stileid.u32  }
0x4: {  	s2 =	simm.s32 $0x0;
	s5 =	srdreg.scid;
	s4 =	smul.u32 $0x7A120, s1  }
0x5: {  	[smem:$0x7FF] =	sst s2;
	s5 =	sand.u32 $0x1, s5;
	s7 =	smul.u32 $0xC350, s1  }
0x6: {  	_ =	strace $0x80000047;
	s8 =	ssub.s32 $0x2, s5;
	s9 =	smul.u32 $0x61A8, s5  }
0x7: {  	s5 =	smul.u32 $0x3D090, s5;
	s10 =	sadd.s32 s4, s3;
	s31 =	sshrl.u32 s8, $0x1  }
0x8: {  	s3 =	sadd.s32 $0x5000, s3;
	s4 =	ssub.s32 s8, s31;
	s7 =	sadd.s32 s9, s7  }
0x9: {  	s5 =	sadd.s32 s5, s10;
	s8 =	simm.s32 $0x3E8;
	s9 =	simm.s32 $0x1  }
0xa: {  	s10 =	simm.s32 $0x0;
	s4 =	smax.u32 s4, $0x1;
	s7 =	sshrl.u32 s7, $0x3  }
0xb: {  	s5 =	sadd.s32 $0x7F200, s5;
	s6 =	sadd.s32 s7, s6;
	s7 =	simm.s32 $0x2  }
.LBB2_1:
0xc: {  	s11 =	sadd.s32 $0x0, s6  }
0xd: {  	[tilespmem:s2], [sflag:$0x2] =	stream.linear.gather [hbm4b:s11+s2], $0x3E8, $0x38;
	[tilespmem:$0x13C68] =	vst v63  }
0xe: {  	_ =	swait.ge [sflag:s7], $0x3E8  }
0xf: {  	[sflag:s7] =	ssyncset.done $0x0  }
0x10: {  	[sflag:s7] =	ssyncadd.s32 $0xFFFFFC18  }
0x11: {  	[tilespmem:s8], [sflag:$0x1] =	stream.indirect.gather [hbm4b:s3+s8], $0x50, s2, s8, $0xb8;
	[tilespmem:$0x13C68] =	vst v63  }
0x12: {  	_ =	swait.ge [sflag:s9], $0x13880  }
0x13: {  	[sflag:s9] =	ssyncset.done $0x0  }
0x14: {  	[sflag:s9] =	ssyncadd.s32 $0xFFFEC780  }
0x15: {  	[hbm4b:s5+s2] =	stream.linear.scatter [tilespmem:s8], [sflag:$0x2], $0x13880, $0x38;
	[tilespmem:$0x13C68] =	vst v63  }
0x16: {  	s12 =	simm.s32 $0x7D;
	_ =	swait.ge [sflag:s7], $0x13880  }
0x17: {  	s13 =	simm.s32 $0xFA;
	s11 =	sadd.s32 $0x2710, s5;
	[sflag:s7] =	ssyncset.done $0x0  }
.LBB2_2:
0x18: {  	s14 =	sadd.s32 s12, s6  }
0x19: {  	[sflag:s7] =	ssyncadd.s32 $0xFFFEC780;
	s12 =	smov.u32 s13;
	s15 =	sadd.s32 $0x7D, s13  }
0x1a: {  	[tilespmem:s2], [sflag:$0x2] =	stream.linear.gather [hbm4b:s14+s2], $0x3E8, $0x38;
	[tilespmem:$0x13C68] =	vst v63  }
0x1b: {  	p0 =	sne.s32 s13, $0xBB8;
	_ =	swait.ge [sflag:s7], $0x3E8  }
0x1c: {  	[sflag:s7] =	ssyncset.done $0x0  }
0x1d: {  	[sflag:s7] =	ssyncadd.s32 $0xFFFFFC18  }
0x1e: {  	[tilespmem:s8], [sflag:$0x1] =	stream.indirect.gather [hbm4b:s3+s8], $0x50, s2, s8, $0xb8;
	[tilespmem:$0x13C68] =	vst v63  }
0x1f: {  	_ =	swait.ge [sflag:s9], $0x13880  }
.Ltmp0:
0x20: {  	[sflag:s9] =	ssyncset.done $0x0;
	(pc) =	sbr.rel @p0 .LBB2_2-.Ltmp0, $4  }
0x21: {  	[sflag:s9] =	ssyncadd.s32 $0xFFFEC780  }
0x22: {  	[hbm4b:s11+s2] =	stream.linear.scatter [tilespmem:s8], [sflag:$0x2], $0x13880, $0x38;
	[tilespmem:$0x13C68] =	vst v63  }
0x23: {  	_ =	swait.ge [sflag:s7], $0x13880  }
0x24: {  	s13 =	smov.u32 s15;
	s11 =	sadd.s32 $0x2710, s11;
	[sflag:s7] =	ssyncset.done $0x0  }
0x25: {  	s12 =	sadd.s32 s12, s6;
	[sflag:s7] =	ssyncadd.s32 $0xFFFEC780  }
0x26: {  	[tilespmem:s2], [sflag:$0x2] =	stream.linear.gather [hbm4b:s12+s2], $0x3E8, $0x38;
	[tilespmem:$0x13C68] =	vst v63  }
0x27: {  	_ =	swait.ge [sflag:s7], $0x3E8  }
0x28: {  	[sflag:s7] =	ssyncset.done $0x0  }
0x29: {  	[sflag:s7] =	ssyncadd.s32 $0xFFFFFC18  }
0x2a: {  	[tilespmem:s8], [sflag:$0x1] =	stream.indirect.gather [hbm4b:s3+s8], $0x50, s2, s8, $0xb8;
	[tilespmem:$0x13C68] =	vst v63  }
0x2b: {  	s10 =	sadd.s32 $0x1, s10;
	_ =	swait.ge [sflag:s9], $0x13880  }
0x2c: {  	p0 =	sne.s32 s10, s4;
	[sflag:s9] =	ssyncset.done $0x0  }
.Ltmp1:
0x2d: {  	[sflag:s9] =	ssyncadd.s32 $0xFFFEC780;
	(pc) =	sbr.rel @p0 .LBB2_1-.Ltmp1, $4  }
0x2e: {  	[hbm4b:s11+s2] =	stream.linear.scatter [tilespmem:s8], [sflag:$0x2], $0x13880, $0x38;
	[tilespmem:$0x13C68] =	vst v63  }
0x2f: {  	_ =	swait.ge [sflag:s7], $0x13880  }
0x30: {  	[sflag:s7] =	ssyncset.done $0x0  }
0x31: {  	[sflag:s7] =	ssyncadd.s32 $0xFFFEC780  }
0x32: {  	_ =	sfence.sel $0x180000  }
0x33: {  	[bflag:$0x0] =	sbarrier.arrive $0xFFFF  }
0x34: {  	p0 =	sne.s32 s1, $0x0;
	_ =	strace $0x90000047  }
0x35: {  	s0 =	sadd.s32 @!p0 $0x100000, s0;
	[bflag:$0x2] =	sbarrier.arrive $0xFFFF  }
0x36: {  	[sflag:s0] =	ssyncadd.tile.s32 @!p0 $0x1;
	_ =	shalt  }
.Lfunc_end2:
_tile_overlayer_lowered:
.L_overlay_start_2:
0x37: {  	(tag) =	ssettag $0x2  }
0x38: {  	s0 =	rddreg [dreg:$0x0];
	s2 =	stileid.u32  }
0x39: {  	s1 =	rddreg [dreg:$0x1];
	p0 =	sne.s32 s2, $0x0  }
0x3a: {  	s3 =	rddreg [dreg:$0x2];
	[bflag:$0x3] =	sbarrier.arrive $0xFFFF;
	s2 =	simm.s32 @!p0 $0x1C02  }
0x3b: {  	[timem:s3], [sflag:s2] =	dma.local @!p0 [hbm:s0], s1  }
0x3c: {  	s0 =	simm.s32 @!p0 $0x2  }
0x3d: {  	_ =	swait.ge @!p0 [sflag:s0], s1  }
0x3e: {  	s1 =	ssub.s32 @!p0 $0x0, s1;
	[sflag:s0] =	ssyncset.done @!p0 $0x0  }
0x3f: {  	[sflag:s0] =	ssyncadd.s32 @!p0 s1  }
0x40: {  	[bflag:$0x3] =	sbarrier.arrive $0xFFFF  }
0x41: {  	_ =	shalt  }

// kernel: kernel.8.cloned.1.call-start
scs
__scs_entry_jumppad:
0x0: {  	(pc) =	sbr.rel $0x88, $3  }
0x1: {  	(tag) =	ssettag $0x0;
	lr =	simm.s32 $0x1  }
0x2: {  	[smem:$0x3F81] =	sst lr;
	_ =	strace $0xD0000000  }
0x3: {  	_ = 	snop  }
0x4: {  	_ = 	snop  }
0x5: {  	_ = 	snop  }
0x6: {  	_ = 	snop  }
0x7: {  	_ = 	snop  }
__scs_overlays_trampoline_lowered:
0x8: {  	[smem:$0x3F90] =	sst s0  }
0x9: {  	[smem:$0x3F91] =	sst s1  }
0xa: {  	[smem:$0x3F92] =	sst s2  }
0xb: {  	[smem:$0x3F93] =	sst s3  }
0xc: {  	[smem:$0x3F94] =	sst s4  }
0xd: {  	[smem:$0x3F95] =	sst s5  }
0xe: {  	[smem:$0x3F96] =	sst s6  }
0xf: {  	[smem:$0x3F97] =	sst s7  }
0x10: {  	[smem:$0x3F98] =	sst s8  }
0x11: {  	[smem:$0x3F99] =	sst s9;
	s0 =	simm.s32 @!p0 $0x0  }
0x12: {  	s1 =	sld [smem:$0x3F7F];
	s0 =	simm.s32 @p0 $0x1  }
0x13: {  	[smem:$0x3F9A] =	sst s0;
	s0 =	simm.s32 @!p1 $0x0  }
0x14: {  	s2 =	sld [smem:$0x3F7E];
	s0 =	simm.s32 @p1 $0x1  }
0x15: {  	[smem:$0x3F9B] =	sst s0;
	s0 =	simm.s32 @!p2 $0x0  }
0x16: {  	s3 =	sld [smem:$0x3FDB];
	s0 =	simm.s32 @p2 $0x1  }
0x17: {  	s4 =	simm.s32 $0x1BF5;
	[smem:$0x3F9D] =	sst s0  }
0x18: {  	s0 =	sld [smem:$0x3F80];
	_ =	swait.ge [sflag:s4], $0x0  }
0x19: {  	s7 =	sld [smem:$0x3F81]  }
0x1a: {  	s8 =	sadd.s32 $0xFFFFE003, lr  }
0x1b: {  	s9 =	sadd.s32 $0xFFFFFEF7, lr;
	s5 =	simm.s32 $0xFFFFFFFF;
	p2 =	slt.u32 s8, $0xFFFFF086  }
0x1c: {  	p1 =	slt.u32 s9, $0xF7A;
	s5 =	simm.s32 @!p2 $0x0  }
0x1d: {  	s5 =	simm.s32 @p1 $0x1;
	p0 =	seq.s32 s7, s2  }
0x1e: {  	s7 =	smul.u32 @!p0 $0xF7A, s2;
	p2 =	seq.s32 @!p0 s5, $0x0  }
0x1f: {  	s9 =	smul.u32 $0xF7A, s1;
	s8 =	simm.s32 @!p0 $0x1BF5;
	p2 =	por !p2, p0  }
0x20: {  	[sflag:s8] =	ssyncset.s32 @!p0 $0xFFFFF086;
	s6 =	sadd.s32 @!p0 s3, s7;
	s7 =	simm.s32 @!p0 $0x108  }
0x21: {  	s3 =	sadd.s32 s3, s9;
	s6 =	sadd.s32 @!p0 $0x88, s6;
	s7 =	simm.s32 @p2 $0x1082  }
0x22: {  	[simem:s7], [sflag:s8] =	dma.local @!p0 [hbm:s6], $0xF7A  }
0x23: {  	s9 =	sor.u32 $0xD0000000, s2;
	s6 =	simm.s32 $0x108;
	_ =	swait.ge @!p0 [sflag:s8], $0x0  }
0x24: {  	s3 =	sadd.s32 $0x88, s3;
	s6 =	simm.s32 @!p1 $0x1082;
	[sflag:s4] =	ssyncset.s32 $0xFFFFF086  }
0x25: {  	[simem:s6], [sflag:s4] =	dma.local [hbm:s3], $0xF7A  }
0x26: {  	[smem:$0x3F81] =	sst s1;
	(tag) =	ssettag s2;
	_ =	strace s9  }
0x27: {  	s1 =	sld [smem:$0x3F91]  }
0x28: {  	s2 =	sld [smem:$0x3F92]  }
0x29: {  	s4 =	sld [smem:$0x3F94]  }
0x2a: {  	p0 =	seq.s32 s5, $0x0;
	s5 =	sld [smem:$0x3F95]  }
0x2b: {  	s6 =	sld [smem:$0x3F96]  }
0x2c: {  	s7 =	sld [smem:$0x3F97]  }
0x2d: {  	s3 =	simm.s32 $0x108;
	s8 =	sld [smem:$0x3F98]  }
0x2e: {  	s3 =	simm.s32 @!p0 $0x1082;
	s9 =	sld [smem:$0x3F99]  }
0x2f: {  	lr =	sadd.s32 s0, s3;
	s0 =	sld [smem:$0x3F90]  }
0x30: {  	s3 =	sld [smem:$0x3F93]  }
0x31: {  	[smem:$0x3F9C] =	sst s10  }
0x32: {  	s10 =	sld [smem:$0x3F9A];
	_ =	sdelay $0x3  }
0x33: {  	p0 =	seq.s32 s10, $0x1;
	s10 =	sld [smem:$0x3F9C];
	_ =	sdelay $0x3  }
0x34: {  	[smem:$0x3F9C] =	sst s10  }
0x35: {  	s10 =	sld [smem:$0x3F9B];
	_ =	sdelay $0x3  }
0x36: {  	p1 =	seq.s32 s10, $0x1;
	s10 =	sld [smem:$0x3F9C];
	_ =	sdelay $0x3  }
0x37: {  	[smem:$0x3F9C] =	sst s10  }
0x38: {  	s10 =	sld [smem:$0x3F9D]  }
0x39: {  	_ = 	snop;
	(pc) =	sbr.ind lr, $3  }
0x3a: {  	_ = 	snop  }
0x3b: {  	_ = 	snop  }
0x3c: {  	p2 =	seq.s32 s10, $0x1;
	s10 =	sld [smem:$0x3F9C]  }
0x3d: {  	_ =	shalt  }
0x3e: {  	_ =	shalt  }
0x3f: {  	_ =	shalt  }
0x40: {  	_ =	shalt  }
0x41: {  	_ =	shalt  }
0x42: {  	_ =	shalt  }
0x43: {  	_ =	shalt  }
0x44: {  	_ =	shalt  }
0x45: {  	_ =	shalt  }
0x46: {  	_ =	shalt  }
0x47: {  	_ =	shalt  }
0x48: {  	_ =	shalt  }
0x49: {  	_ =	shalt  }
0x4a: {  	_ =	shalt  }
0x4b: {  	_ =	shalt  }
0x4c: {  	_ =	shalt  }
0x4d: {  	_ =	shalt  }
0x4e: {  	_ =	shalt  }
0x4f: {  	_ =	shalt  }
0x50: {  	_ =	shalt  }
0x51: {  	_ =	shalt  }
0x52: {  	_ =	shalt  }
0x53: {  	_ =	shalt  }
0x54: {  	_ =	shalt  }
0x55: {  	_ =	shalt  }
0x56: {  	_ =	shalt  }
0x57: {  	_ =	shalt  }
0x58: {  	_ =	shalt  }
0x59: {  	_ =	shalt  }
0x5a: {  	_ =	shalt  }
0x5b: {  	_ =	shalt  }
0x5c: {  	_ =	shalt  }
0x5d: {  	_ =	shalt  }
0x5e: {  	_ =	shalt  }
0x5f: {  	_ =	shalt  }
0x60: {  	_ =	shalt  }
0x61: {  	_ =	shalt  }
0x62: {  	_ =	shalt  }
0x63: {  	_ =	shalt  }
0x64: {  	_ =	shalt  }
0x65: {  	_ =	shalt  }
0x66: {  	_ =	shalt  }
0x67: {  	_ =	shalt  }
0x68: {  	_ =	shalt  }
0x69: {  	_ =	shalt  }
0x6a: {  	_ =	shalt  }
0x6b: {  	_ =	shalt  }
0x6c: {  	_ =	shalt  }
0x6d: {  	_ =	shalt  }
0x6e: {  	_ =	shalt  }
0x6f: {  	_ =	shalt  }
0x70: {  	_ =	shalt  }
0x71: {  	_ =	shalt  }
0x72: {  	_ =	shalt  }
0x73: {  	_ =	shalt  }
0x74: {  	_ =	shalt  }
0x75: {  	_ =	shalt  }
0x76: {  	_ =	shalt  }
0x77: {  	_ =	shalt  }
0x78: {  	_ =	shalt  }
0x79: {  	_ =	shalt  }
0x7a: {  	_ =	shalt  }
0x7b: {  	_ =	shalt  }
0x7c: {  	_ =	shalt  }
0x7d: {  	_ =	shalt  }
0x7e: {  	_ =	shalt  }
0x7f: {  	_ =	shalt  }
0x80: {  	_ =	shalt  }
0x81: {  	_ =	shalt  }
0x82: {  	_ =	shalt  }
0x83: {  	_ =	shalt  }
0x84: {  	_ =	shalt  }
0x85: {  	_ =	shalt  }
0x86: {  	_ =	shalt  }
0x87: {  	_ =	shalt  }
.Lfunc_end0:
.L_simem_size_0:
called_computation.1_lowered:
.L_overlay_start_0:
0x88: {  	s2 =	sld [smem:$0x3FD9]  }
0x89: {  	s3 =	sld [smem:$0x3FFE];
	_ =	sdelay $0x1  }
0x8a: {  	s1 =	srdreg.scid  }
0x8b: {  	s0 =	sand.u32 $0x1, s1  }
0x8c: {  	s14 =	sshll.u32 s0, $0xA;
	s2 =	sadd.s32 s3, s2  }
0x8d: {  	s2 =	sadd.s32 s2, s14  }
0x8e: {  	[smem:$0x3FA8] =	sst s2  }
0x8f: {  	_ = 	snop  }
0x90: {  	s2 =	sld [smem:$0x3FD0];
	_ =	sdelay $0x2  }
0x91: {  	s15 =	simm.s32 $0xA;
	s4 =	simm.s32 $0x10  }
0x92: {  	[smem:s4], [sflag:s15] =	dma.local [hbm:s2], $0x1  }
0x93: {  	_ =	swait.eq [sflag:s15], $0x1  }
0x94: {  	[sflag:s15] =	ssyncset.done $0x0  }
0x95: {  	s16 =	sld [smem:$0x10];
	[sflag:s15] =	ssyncadd.s32 $0xFFFFFFFF  }
0x96: {  	s17 =	sld [smem:$0x11];
	(tm) =	ssettm $0x1  }
0x97: {  	s18 =	sld [smem:$0x3FFB];
	_ =	sdelay $0x3  }
0x98: {  	_ =	strace s18  }
0x99: {  	s4 =	sld [smem:$0x3FFC];
	_ =	sdelay $0x3  }
0x9a: {  	_ =	strace s4  }
0x9b: {  	s4 =	sld [smem:$0x3FFD];
	_ =	sdelay $0x3  }
0x9c: {  	_ =	strace s4  }
0x9d: {  	_ =	strace $0x8FFFFFFF  }
0x9e: {  	s19 =	sld [smem:$0x3FDB];
	_ =	sdelay $0x1  }
0x9f: {  	s5 =	simm.s32 $_scs_section_size  }
0xa0: {  	s6 =	simm.s32 $_size__tile_overlayer_lowered;
	s7 =	simm.s32 $_tile_overlayer_lowered  }
0xa1: {  	s22 =	simm.s32 $0x1BFF;
	s21 =	sshll.u32 s7, $0x1;
	s4 =	sadd.s32 s5, s19  }
0xa2: {  	s8 =	simm.s32 $0x0;
	s20 =	sshll.u32 s6, $0x1;
	s6 =	sadd.s32 s21, s4  }
0xa3: {  	[timem:s8], [sflag:s22] =	dma.local [hbm:s6], s20  }
0xa4: {  	_ =	swait.ge [sflag:s22], s20  }
0xa5: {  	s5 =	ssub.s32 $0x0, s20;
	[sflag:s22] =	ssyncset.done $0x0  }
0xa6: {  	[sflag:s22] =	ssyncadd.s32 s5;
	_ =	sdelay $0x1  }
0xa7: {  	s23 =	simm.s32 $0x1B8B  }
0xa8: {  	_ =	swait.ge [sflag:s23], $0x1  }
0xa9: {  	[sflag:s23] =	ssyncset.done $0x0  }
0xaa: {  	s25 =	simm.s32 $0x1B8E;
	s24 =	sld [smem:$0x3FFE];
	[sflag:s23] =	ssyncadd.s32 $0xFFFFFFFF  }
0xab: {  	s26 =	simm.s32 $execute0_lowered;
	[smem:$0x3FD2] =	sst s25  }
0xac: {  	s6 =	sshll.u32 s26, $0x1;
	_ =	strace $0x80000049;
	[dreg:$0x1] =	wrdreg $0xFFFFFFFF  }
0xad: {  	s28 =	simm.s32 $_size_execute0_lowered;
	s4 =	sadd.s32 s4, s6;
	[dreg:$0x0] =	wrdreg $0x0  }
0xae: {  	s6 =	sshll.u32 s28, $0x1;
	[dreg:$0x2] =	wrdreg s4  }
0xaf: {  	[dreg:$0x3] =	wrdreg s6  }
0xb0: {  	[dreg:$0x4] =	wrdreg $0xC0  }
0xb1: {  	_ =	task [dreg:s8], $0x5FFFF  }
0xb2: {  	[dreg:$0x1] =	wrdreg $0xFFFFFFFF  }
0xb3: {  	[dreg:$0x0] =	wrdreg $0x60  }
0xb4: {  	[dreg:$0x2] =	wrdreg s24  }
0xb5: {  	[dreg:$0x3] =	wrdreg s16  }
0xb6: {  	[dreg:$0x4] =	wrdreg s17  }
0xb7: {  	[dreg:$0x5] =	wrdreg $0x14800  }
0xb8: {  	[dreg:$0x6] =	wrdreg $0x9  }
0xb9: {  	_ =	task.clear_ibuf [dreg:s8], $0x7FFFF;
	_ =	strace $0x90000049  }
0xba: {  	s29 =	simm.s32 $0x9;
	_ =	strace $0x8000004B  }
0xbb: {  	_ =	swait.ge [sflag:s29], $0x1  }
0xbc: {  	[sflag:s29] =	ssyncadd.s32 $0xFFFFFFFF  }
0xbd: {  	_ =	strace $0x9000004B  }
0xbe: {  	_ =	sfence  }
0xbf: {  	s30 =	sld [smem:$0x0];
	_ =	sdelay $0x2  }
0xc0: {  	s31 =	sshll.u32 s1, $0xD;
	s1 =	sshrl.u32 s1, $0x2  }
0xc1: {  	s3 =	sand.u32 $0x4000, s31;
	s1 =	sadd.s32 s1, s30  }
0xc2: {  	s0 =	sor.u32 s3, s0;
	s1 =	sshll.u32 s1, $0x11  }
0xc3: {  	s0 =	sor.u32 s1, s0  }
0xc4: {  	s0 =	sadd.s32 $0x8F2B, s0  }
0xc5: {  	[sflag:s0] =	ssyncadd.remote.s32 $0x1  }
0xc6: {  	_ =	sfence.sel $0xFFFF  }
0xc7: {  	[dreg:$0x0] =	wrdreg $0xFFFFFFFF;
	(pc) =	sbr.abs _section_cstart, $3  }
0xc8: {  	[dreg:$0x1] =	wrdreg $0xFFFFFFFF  }
0xc9: {  	_ =	task.clear_ibuf [dreg:s8], $0x2FFFF;
	_ =	strace $0x9FFFFFFF  }
0xca: {  	(tm) =	ssettm $0x7FFFFFFF  }
0xcb: {  	_ =	shalt  }
tec
execute0_lowered:
.L_overlay_start_1:
0x0: {  	(tag) =	ssettag $0x1  }
0x1: {  	s0 =	srdreg.scid  }
0x2: {  	s5 =	rddreg [dreg:$0x0];
	s6 =	sand.u32 $0x1, s0  }
0x3: {  	s0 =	stileid.u32;
	s9 =	smul.u32 $0x28, s6  }
0x4: {  	s11 =	rddreg [dreg:$0x1];
	s7 =	smul.u32 $0x2800, s0  }
0x5: {  	s2 =	rddreg [dreg:$0x2];
	s30 =	smul.u32 $0x27100, s0  }
0x6: {  	s3 =	rddreg [dreg:$0x3];
	s31 =	sor.u32 $0x10, s0;
	s18 =	smul.u32 $0x13880, s0  }
0x7: {  	s1 =	rddreg [dreg:$0x4];
	s13 =	sor.u32 $0x20, s0;
	s21 =	smul.u32 $0x27100, s31  }
0x8: {  	s4 =	simm.s32 $0x0;
	s16 =	sor.u32 $0x30, s0;
	s15 =	smul.u32 $0x27100, s13  }
0x9: {  	[smem:$0x7FF] =	sst s4;
	s22 =	smul.u32 $0x27100, s16  }
0xa: {  	s10 =	sadd.s32 $0x7A6200, s5;
	s6 =	ssub.s32 $0x2, s6;
	s23 =	smul.u32 $0x13880, s31  }
0xb: {  	_ =	strace $0x8000004A;
	s14 =	sshll.u32 s0, $0x6;
	s13 =	smul.u32 $0x13880, s13  }
0xc: {  	s8 =	sshrl.u32 s6, $0x1;
	s28 =	smul.u32 $0x13880, s16;
	s31 =	sshll.u32 s0, $0x4  }
0xd: {  	p0 =	sgt.u32 s16, $0x31;
	s7 =	sor.u32 s9, s7;
	s6 =	ssub.s32 s6, s8  }
0xe: {  	s20 =	sshrl.u32 s30, $0x2;
	s25 =	sor.u32 s9, s18;
	s11 =	sadd.s32 s31, s11  }
0xf: {  	s18 =	simm.s32 $0xA;
	s7 =	sshrl.u32 s7, $0x3;
	s17 =	sadd.s32 s20, s3  }
0x10: {  	s15 =	sshrl.u32 s15, $0x2;
	s24 =	sshrl.u32 s22, $0x2;
	s26 =	sor.u32 s9, s23  }
0x11: {  	s13 =	sor.u32 s9, s13;
	s9 =	sor.u32 s9, s28;
	s12 =	sadd.s32 s7, s5  }
0x12: {  	s5 =	smax.u32 s6, $0x1;
	s6 =	sor.u32 $0x1C01, s14;
	s7 =	sshrl.u32 s21, $0x2  }
0x13: {  	s20 =	sadd.s32 s15, s3;
	s14 =	sshrl.u32 s25, $0x3;
	s21 =	sadd.s32 s24, s3  }
0x14: {  	s29 =	sshrl.u32 s26, $0x3;
	s13 =	sshrl.u32 s13, $0x3;
	s30 =	sshrl.u32 s9, $0x3  }
0x15: {  	s19 =	sadd.s32 s7, s3;
	s7 =	sadd.s32 s10, s14;
	s8 =	sadd.s32 s10, s29  }
0x16: {  	s9 =	sadd.s32 s10, s13;
	s10 =	sadd.s32 s10, s30;
	s12 =	sadd.s32 $0x5000, s12  }
0x17: {  	s13 =	sshrl.u32 s17, $0x3;
	s14 =	simm.s32 $0x1;
	s16 =	sshrl.u32 s20, $0x3  }
0x18: {  	s17 =	sshrl.u32 @!p0 s21, $0x3;
	s15 =	sshrl.u32 s19, $0x3;
	s19 =	simm.s32 $0x5  }
.LBB2_1:
0x19: {  	[spmem:s13], [sflag:s6] =	dma.local [hbm:s2], $0x1388  }
0x1a: {  	_ =	swait.ge [sflag:s14], $0x1388  }
0x1b: {  	[sflag:s14] =	ssyncset.done $0x0  }
0x1c: {  	[sflag:s14] =	ssyncadd.s32 $0xFFFFEC78  }
0x1d: {  	[spmem:s15], [sflag:s6] =	dma.local [hbm:s2], $0x1388  }
0x1e: {  	_ =	swait.ge [sflag:s14], $0x1388  }
0x1f: {  	[sflag:s14] =	ssyncset.done $0x0  }
0x20: {  	[sflag:s14] =	ssyncadd.s32 $0xFFFFEC78  }
0x21: {  	[spmem:s16], [sflag:s6] =	dma.local [hbm:s2], $0x1388  }
0x22: {  	_ =	swait.ge [sflag:s14], $0x1388  }
0x23: {  	[sflag:s14] =	ssyncset.done $0x0  }
0x24: {  	s20 =	simm.s32 @!p0 $0x1;
	[sflag:s14] =	ssyncadd.s32 $0xFFFFEC78  }
0x25: {  	[spmem:s17], [sflag:s6] =	dma.local @!p0 [hbm:s2], $0x1388  }
0x26: {  	_ =	swait.ge @!p0 [sflag:s20], $0x1388  }
0x27: {  	s21 =	sadd.s32 $0x0, s0;
	[sflag:s20] =	ssyncset.done @!p0 $0x0  }
0x28: {  	p1 =	sgt.u32 s21, $0x1869;
	[sflag:s20] =	ssyncadd.s32 @!p0 $0xFFFFEC78  }
0x29: {  	s22 =	simm.s32 @!p1 $0x2;
	s20 =	simm.s32 @!p1 $0x0;
	[bflag:$0x0] =	sbarrier.arrive $0xFFFF  }
0x2a: {  	[tilespmem:s20], [sflag:$0x2] =	stream.linear.gather @!p1 [hbm4b:s11+s20], $0x80, $0x38;
	[tilespmem:$0x1FCC8] =	vst v63  }
0x2b: {  	_ =	swait.ge @!p1 [sflag:s22], $0x80  }
0x2c: {  	s24 =	simm.s32 @!p1 $0x80;
	[sflag:s22] =	ssyncset.done @!p1 $0x0  }
0x2d: {  	s21 =	simm.s32 @!p1 $0x28;
	s23 =	simm.s32 @!p1 $0x50;
	[sflag:s22] =	ssyncadd.s32 @!p1 $0xFFFFFF80  }
0x2e: {  	[tilespmem:s24], [sflag:$0x2] =	stream.strided.gather @!p1 [hbm4b:s12+s21], $0x1400, s23, s21, $0x38;
	[tilespmem:$0x1FCC8] =	vst v63  }
0x2f: {  	p2 =	por p1, p1;
	_ =	swait.ge @!p1 [sflag:s22], $0x1400  }
0x30: {  	[sflag:s22] =	ssyncset.done @!p2 $0x0  }
0x31: {  	s31 =	sadd.s32 $0x10, s0;
	s23 =	simm.s32 @!p2 $0x1;
	[sflag:s22] =	ssyncadd.s32 @!p2 $0xFFFFEC00  }
0x32: {  	[spmem:s3] =	stream.indirect.scatter.add.f32 @!p2 [tilespmem:s24], [sflag:$0x1], $0x28, s20, s24, $0xb8;
	[tilespmem:$0x1FCC8] =	vst v63  }
0x33: {  	s21 =	simm.s32 $0x20;
	p1 =	sgt.u32 s31, $0x1869;
	_ =	swait.ge @!p2 [sflag:s23], $0x1400  }
0x34: {  	s22 =	sadd.s32 $0x100, s11;
	s20 =	sadd.s32 $0x5000, s12;
	[sflag:s23] =	ssyncset.done @!p2 $0x0  }
.LBB2_2:
0x35: {  	s24 =	simm.s32 @!p1 $0x0;
	s25 =	simm.s32 @!p1 $0x2;
	[sflag:s23] =	ssyncadd.s32 @!p2 $0xFFFFEC00  }
0x36: {  	[tilespmem:s24], [sflag:$0x2] =	stream.linear.gather @!p1 [hbm4b:s22+s24], $0x80, $0x38;
	[tilespmem:$0x1FCC8] =	vst v63  }
0x37: {  	s26 =	smov.u32 s21;
	s21 =	sadd.s32 $0x10, s21;
	_ =	swait.ge @!p1 [sflag:s25], $0x80  }
0x38: {  	s28 =	simm.s32 @!p1 $0x80;
	p3 =	sne.s32 s21, $0x1870;
	[sflag:s25] =	ssyncset.done @!p1 $0x0  }
0x39: {  	s23 =	simm.s32 @!p1 $0x28;
	s29 =	simm.s32 @!p1 $0x50;
	[sflag:s25] =	ssyncadd.s32 @!p1 $0xFFFFFF80  }
0x3a: {  	[tilespmem:s28], [sflag:$0x2] =	stream.strided.gather @!p1 [hbm4b:s20+s23], $0x1400, s29, s23, $0x38;
	[tilespmem:$0x1FCC8] =	vst v63  }
0x3b: {  	p2 =	por p1, p1;
	_ =	swait.ge @!p1 [sflag:s25], $0x1400  }
.Ltmp0:
0x3c: {  	[sflag:s25] =	ssyncset.done @!p2 $0x0;
	(pc) =	sbr.rel @p3 .LBB2_2-.Ltmp0, $4  }
0x3d: {  	s23 =	simm.s32 @!p2 $0x1;
	[sflag:s25] =	ssyncadd.s32 @!p2 $0xFFFFEC00  }
0x3e: {  	[spmem:s3] =	stream.indirect.scatter.add.f32 @!p2 [tilespmem:s28], [sflag:$0x1], $0x28, s24, s28, $0xb8;
	[tilespmem:$0x1FCC8] =	vst v63  }
0x3f: {  	s20 =	sadd.s32 $0x5000, s20;
	s24 =	sadd.s32 s26, s0;
	_ =	swait.ge @!p2 [sflag:s23], $0x1400  }
0x40: {  	s22 =	sadd.s32 $0x100, s22;
	p1 =	sgt.u32 s24, $0x1869;
	[sflag:s23] =	ssyncset.done @!p2 $0x0  }
0x41: {  	s21 =	simm.s32 @!p1 $0x0;
	s24 =	simm.s32 @!p1 $0x2;
	[sflag:s23] =	ssyncadd.s32 @!p2 $0xFFFFEC00  }
0x42: {  	[tilespmem:s21], [sflag:$0x2] =	stream.linear.gather @!p1 [hbm4b:s22+s21], $0x80, $0x38;
	[tilespmem:$0x1FCC8] =	vst v63  }
0x43: {  	_ =	swait.ge @!p1 [sflag:s24], $0x80  }
0x44: {  	s23 =	simm.s32 @!p1 $0x28;
	[sflag:s24] =	ssyncset.done @!p1 $0x0  }
0x45: {  	s25 =	simm.s32 @!p1 $0x50;
	s22 =	simm.s32 @!p1 $0x80;
	[sflag:s24] =	ssyncadd.s32 @!p1 $0xFFFFFF80  }
0x46: {  	[tilespmem:s22], [sflag:$0x2] =	stream.strided.gather @!p1 [hbm4b:s20+s23], $0x1400, s25, s23, $0x38;
	[tilespmem:$0x1FCC8] =	vst v63  }
0x47: {  	_ =	swait.ge @!p1 [sflag:s24], $0x1400;
	p1 =	por p1, p1  }
0x48: {  	[sflag:s24] =	ssyncset.done @!p1 $0x0  }
0x49: {  	s20 =	simm.s32 @!p1 $0x1;
	[sflag:s24] =	ssyncadd.s32 @!p1 $0xFFFFEC00  }
0x4a: {  	[spmem:s3] =	stream.indirect.scatter.add.f32 @!p1 [tilespmem:s22], [sflag:$0x1], $0x28, s21, s22, $0xb8;
	[tilespmem:$0x1FCC8] =	vst v63  }
0x4b: {  	_ =	swait.ge @!p1 [sflag:s20], $0x1400  }
0x4c: {  	[sflag:s20] =	ssyncset.done @!p1 $0x0  }
0x4d: {  	[sflag:s20] =	ssyncadd.s32 @!p1 $0xFFFFEC00  }
0x4e: {  	[bflag:$0x0] =	sbarrier.arrive $0xFFFF  }
0x4f: {  	[hbm:s7@s18], [sflag:s6] =	dma.strided [spmem:s13@s19], $0x1388, s14, $0x5   }
0x50: {  	_ =	swait.ge [sflag:s14], $0x1388  }
0x51: {  	[sflag:s14] =	ssyncset.done $0x0  }
0x52: {  	[sflag:s14] =	ssyncadd.s32 $0xFFFFEC78  }
0x53: {  	[hbm:s8@s18], [sflag:s6] =	dma.strided [spmem:s15@s19], $0x1388, s14, $0x5   }
0x54: {  	_ =	swait.ge [sflag:s14], $0x1388  }
0x55: {  	[sflag:s14] =	ssyncset.done $0x0  }
0x56: {  	[sflag:s14] =	ssyncadd.s32 $0xFFFFEC78  }
0x57: {  	[hbm:s9@s18], [sflag:s6] =	dma.strided [spmem:s16@s19], $0x1388, s14, $0x5   }
0x58: {  	s4 =	sadd.s32 $0x1, s4;
	s21 =	simm.s32 @!p0 $0xA;
	_ =	swait.ge [sflag:s14], $0x1388  }
0x59: {  	s22 =	simm.s32 @!p0 $0x5;
	p1 =	sne.s32 s4, s5;
	[sflag:s14] =	ssyncset.done $0x0  }
.Ltmp1:
0x5a: {  	s20 =	simm.s32 @!p0 $0x1;
	[sflag:s14] =	ssyncadd.s32 $0xFFFFEC78;
	(pc) =	sbr.rel @p1 .LBB2_1-.Ltmp1, $4  }
0x5b: {  	[hbm:s10@s21], [sflag:s6] =	dma.strided @!p0 [spmem:s17@s22], $0x1388, s20, $0x5   }
0x5c: {  	_ =	swait.ge @!p0 [sflag:s20], $0x1388  }
0x5d: {  	[sflag:s20] =	ssyncset.done @!p0 $0x0  }
0x5e: {  	[sflag:s20] =	ssyncadd.s32 @!p0 $0xFFFFEC78  }
0x5f: {  	_ =	sfence.sel $0x180000  }
0x60: {  	[bflag:$0x0] =	sbarrier.arrive $0xFFFF  }
0x61: {  	p0 =	sne.s32 s0, $0x0;
	_ =	strace $0x9000004A  }
0x62: {  	s0 =	sadd.s32 @!p0 $0x100000, s1;
	[bflag:$0x2] =	sbarrier.arrive $0xFFFF  }
0x63: {  	[sflag:s0] =	ssyncadd.tile.s32 @!p0 $0x1;
	_ =	shalt  }
.Lfunc_end2:
_tile_overlayer_lowered:
.L_overlay_start_2:
0x64: {  	(tag) =	ssettag $0x2  }
0x65: {  	s0 =	rddreg [dreg:$0x0];
	s2 =	stileid.u32  }
0x66: {  	s1 =	rddreg [dreg:$0x1];
	p0 =	sne.s32 s2, $0x0  }
0x67: {  	s3 =	rddreg [dreg:$0x2];
	[bflag:$0x3] =	sbarrier.arrive $0xFFFF;
	s2 =	simm.s32 @!p0 $0x1C01  }
0x68: {  	[timem:s3], [sflag:s2] =	dma.local @!p0 [hbm:s0], s1  }
0x69: {  	s0 =	simm.s32 @!p0 $0x1  }
0x6a: {  	_ =	swait.ge @!p0 [sflag:s0], s1  }
0x6b: {  	s1 =	ssub.s32 @!p0 $0x0, s1;
	[sflag:s0] =	ssyncset.done @!p0 $0x0  }
0x6c: {  	[sflag:s0] =	ssyncadd.s32 @!p0 s1  }
0x6d: {  	[bflag:$0x3] =	sbarrier.arrive $0xFFFF  }
0x6e: {  	_ =	shalt  }

</sc_bundles>
